<compile_context>
chip_gen: v7x
topology: tpu7x:2x2x1
jax: 0.10.2.dev20260603
libtpu: 0.0.44.dev20260713+nightly
codegen_flags: <defaults>
</compile_context>

<pallas_src>
import functools
import math

import jax
import jax.numpy as jnp
from jax import lax
from jax.experimental import pallas as pl
from jax.experimental.pallas import tpu as pltpu
from jax.experimental.pallas import tpu_sc as plsc

VOCAB = 100000
EMBED = 128
SCALE = math.sqrt(EMBED)

ROWS = 4096 * 200
NC, NS = 2, 16
NW = NC * NS
RW = ROWS // NW
CH = 128
NCHUNK = RW // CH
NBUF = 4
AHEAD = 2

_mesh = plsc.VectorSubcoreMesh(core_axis_name="c", subcore_axis_name="s")


@functools.partial(
    pl.kernel,
    mesh=_mesh,
    out_type=jax.ShapeDtypeStruct((ROWS, EMBED), jnp.float32),
    scratch_types=(
        [pltpu.VMEM((NCHUNK, CH), jnp.int32)]
        + [pltpu.VMEM((CH, EMBED), jnp.float32)] * NBUF
        + [pltpu.SemaphoreType.DMA] * (2 * NBUF)
    ),
)
def _embed_sc(tok_hbm, tab_hbm, out_hbm, idx_v, *bufs_and_sems):
    rows = bufs_and_sems[:NBUF]
    gsem = bufs_and_sems[NBUF:2 * NBUF]
    osem = bufs_and_sems[2 * NBUF:]
    wid = lax.axis_index("s") * NC + lax.axis_index("c")
    base = wid * RW

    pltpu.sync_copy(tok_hbm.at[wid], idx_v)

    def g_start(c, b):
        pltpu.async_copy(tab_hbm.at[idx_v.at[c]], rows[b], gsem[b])

    def g_wait(c, b):
        pltpu.make_async_copy(tab_hbm.at[idx_v.at[c]], rows[b], gsem[b]).wait()

    def o_start(c, b):
        pltpu.async_copy(rows[b], out_hbm.at[pl.ds(base + c * CH, CH)], osem[b])

    def o_wait(c, b):
        pltpu.make_async_copy(
            rows[b], out_hbm.at[pl.ds(base + c * CH, CH)], osem[b]).wait()

    for c in range(AHEAD):
        g_start(c, c)

    def outer(i, carry):
        j = i * NBUF
        for b in range(NBUF):
            cur = j + b

            @pl.when(cur >= AHEAD)
            def _():
                o_wait(cur - AHEAD, (b + AHEAD) % NBUF)

            @pl.when(cur + AHEAD < NCHUNK)
            def _():
                g_start(cur + AHEAD, (b + AHEAD) % NBUF)

            g_wait(cur, b)

            buf = rows[b]

            @plsc.parallel_loop(0, CH, unroll=4)
            def _(r):
                for c in range(EMBED // 16):
                    buf[r, pl.ds(c * 16, 16)] = buf[r, pl.ds(c * 16, 16)] * SCALE

            o_start(cur, b)
        return carry

    lax.fori_loop(0, NCHUNK // NBUF, outer, 0)
    for c in range(NCHUNK - AHEAD, NCHUNK):
        o_wait(c, c % NBUF)


def kernel(tokens, table):
    tok = tokens.reshape(NW, NCHUNK, CH).astype(jnp.int32)
    out = _embed_sc(tok, table)
    return out.reshape(tokens.shape[0], tokens.shape[1], EMBED)

# --- scband reference (transcript-rebuilt; emitter-appended) ---
"""Pipeline reference for scband-token-embedder-7335804142259 (READ-ONLY COPY).

The authoritative reference and input builder live on the scoring server;
editing this copy changes nothing except your own understanding.
"""

import jax, jax.numpy as jnp
import numpy as np
import math

VOCAB = 100000
EMBED = 128
SCALE = math.sqrt(EMBED)

def setup_inputs(seed: int = 0) -> dict:
    key = jax.random.key(seed)
    k1, k2 = jax.random.split(key)
    tokens = jax.random.randint(k1, (4096, 200), 0, VOCAB, dtype=jnp.int64 if jax.config.jax_enable_x64 else jnp.int32)
    table = jax.random.normal(k2, (VOCAB, EMBED), dtype=jnp.float32)
    return {"tokens": tokens, "table": table}

def reference(tokens, table):
    # nn.Embedding lookup followed by sqrt(d_model) scaling
    emb = jnp.take(table, tokens, axis=0)
    return emb * SCALE

if __name__ == "__main__":
    import jax
    _d = setup_inputs()
    print(jax.jit(kernel)(*tuple(_d.values())))

</pallas_src>

<mosaic_0001>
#map = affine_map<(d0, d1) -> (0, 0, 0)>
#map1 = affine_map<(d0, d1) -> (0, 0)>
module attributes {stable_mosaic.version = 14 : i64} {
  func.func @_embed_sc(%arg0: i32, %arg1: i32, %arg2: memref<32x200x128xi32, #tpu.memory_space<hbm>>, %arg3: memref<100000x128xf32, #tpu.memory_space<hbm>>, %arg4: memref<819200x128xf32, #tpu.memory_space<hbm>>, %arg5: memref<200x128xi32, #tpu.memory_space<vmem>>, %arg6: memref<128x128xf32, #tpu.memory_space<vmem>>, %arg7: memref<128x128xf32, #tpu.memory_space<vmem>>, %arg8: memref<128x128xf32, #tpu.memory_space<vmem>>, %arg9: memref<128x128xf32, #tpu.memory_space<vmem>>, %arg10: memref<!tpu.dma_semaphore, #tpu.memory_space<semaphore_mem>>, %arg11: memref<!tpu.dma_semaphore, #tpu.memory_space<semaphore_mem>>, %arg12: memref<!tpu.dma_semaphore, #tpu.memory_space<semaphore_mem>>, %arg13: memref<!tpu.dma_semaphore, #tpu.memory_space<semaphore_mem>>, %arg14: memref<!tpu.dma_semaphore, #tpu.memory_space<semaphore_mem>>, %arg15: memref<!tpu.dma_semaphore, #tpu.memory_space<semaphore_mem>>, %arg16: memref<!tpu.dma_semaphore, #tpu.memory_space<semaphore_mem>>, %arg17: memref<!tpu.dma_semaphore, #tpu.memory_space<semaphore_mem>>) attributes {dimension_semantics = [#tpu.dimension_semantics<core_parallel>, #tpu.dimension_semantics<subcore_parallel>], iteration_bounds = array<i64: 2, 16>, scalar_prefetch = 0 : i64, scratch_operands = 13 : i64, tpu.core_type = #tpu.core_type<sc_vector_subcore>, window_params = [{transform_indices = #map}, {transform_indices = #map1}, {transform_indices = #map1}]} {
    %mul3A = arith.constant 2 : i32
    %mul3A_0 = arith.muli %arg1, %mul3A : i32
    %add3A = arith.addi %mul3A_0, %arg0 : i32
    %mul3A_1 = arith.constant 25600 : i32
    %mul3A_2 = arith.muli %add3A, %mul3A_1 : i32
    "tpu.region"() ({
      %run_scoped3A = tpu.sem_alloc : memref<!tpu.dma_semaphore, #tpu.memory_space<semaphore_mem>>
      %dma_start3A_32 = arith.constant 0 : i32
      %dma_start3A_33 = arith.constant 0 : i32
      %dma_start3A_34 = tpu.memref_slice %arg2[%add3A, %dma_start3A_32, %dma_start3A_33] : memref<32x200x128xi32, #tpu.memory_space<hbm>> -> memref<1x200x128xi32, #tpu.memory_space<hbm>>
      %dma_start3A_35 = tpu.memref_squeeze %dma_start3A_34 : memref<1x200x128xi32, #tpu.memory_space<hbm>> -> memref<200x128xi32, #tpu.memory_space<hbm>>
      %dma_start3A_36 = arith.constant 0 : i32
      %dma_start3A_37 = arith.constant 0 : i32
      %dma_start3A_38 = tpu.memref_slice %arg2[%add3A, %dma_start3A_36, %dma_start3A_37] : memref<32x200x128xi32, #tpu.memory_space<hbm>> -> memref<1x200x128xi32, #tpu.memory_space<hbm>>
      %dma_start3A_39 = tpu.memref_squeeze %dma_start3A_38 : memref<1x200x128xi32, #tpu.memory_space<hbm>> -> memref<200x128xi32, #tpu.memory_space<hbm>>
      tpu.enqueue_dma source(%dma_start3A_39 : memref<200x128xi32, #tpu.memory_space<hbm>>) target(%arg5 : memref<200x128xi32, #tpu.memory_space<vmem>>) target_semaphore(%run_scoped3A : memref<!tpu.dma_semaphore, #tpu.memory_space<semaphore_mem>>)
      %dma_wait3A_40 = arith.constant 0 : i32
      %dma_wait3A_41 = arith.constant 0 : i32
      %dma_wait3A_42 = tpu.memref_slice %arg2[%add3A, %dma_wait3A_40, %dma_wait3A_41] : memref<32x200x128xi32, #tpu.memory_space<hbm>> -> memref<1x200x128xi32, #tpu.memory_space<hbm>>
      %dma_wait3A_43 = tpu.memref_squeeze %dma_wait3A_42 : memref<1x200x128xi32, #tpu.memory_space<hbm>> -> memref<200x128xi32, #tpu.memory_space<hbm>>
      %dma_wait3A_44 = arith.constant 0 : i32
      %dma_wait3A_45 = arith.constant 0 : i32
      %dma_wait3A_46 = tpu.memref_slice %arg2[%add3A, %dma_wait3A_44, %dma_wait3A_45] : memref<32x200x128xi32, #tpu.memory_space<hbm>> -> memref<1x200x128xi32, #tpu.memory_space<hbm>>
      %dma_wait3A_47 = tpu.memref_squeeze %dma_wait3A_46 : memref<1x200x128xi32, #tpu.memory_space<hbm>> -> memref<200x128xi32, #tpu.memory_space<hbm>>
      tpu.wait_dma2 semaphore(%run_scoped3A : memref<!tpu.dma_semaphore, #tpu.memory_space<semaphore_mem>>) src(%dma_wait3A_47 : memref<200x128xi32, #tpu.memory_space<hbm>>) dst(%arg5 : memref<200x128xi32, #tpu.memory_space<vmem>>)
      tpu.yield
    }) : () -> ()
    %dma_start3A = arith.constant 0 : i32
    %dma_start3A_3 = arith.constant 0 : i32
    %dma_start3A_4 = tpu.memref_slice %arg5[%dma_start3A, %dma_start3A_3] : memref<200x128xi32, #tpu.memory_space<vmem>> -> memref<1x128xi32, #tpu.memory_space<vmem>>
    %dma_start3A_5 = tpu.memref_squeeze %dma_start3A_4 : memref<1x128xi32, #tpu.memory_space<vmem>> -> memref<128xi32, #tpu.memory_space<vmem>>
    %dma_start3A_6 = arith.constant 0 : i32
    %dma_start3A_7 = arith.constant 0 : i32
    %dma_start3A_8 = tpu.memref_slice %arg3[%dma_start3A_6, %dma_start3A_7] : memref<100000x128xf32, #tpu.memory_space<hbm>> -> memref<100000x128xf32, #tpu.memory_space<hbm>>
    tpu.enqueue_indirect_dma source(%dma_start3A_8 : memref<100000x128xf32, #tpu.memory_space<hbm>>) target(%arg6 : memref<128x128xf32, #tpu.memory_space<vmem>>) offsets(%dma_start3A_5 : memref<128xi32, #tpu.memory_space<vmem>>) semaphore(%arg10 : memref<!tpu.dma_semaphore, #tpu.memory_space<semaphore_mem>>)
    %dma_start3A_9 = arith.constant 1 : i32
    %dma_start3A_10 = arith.constant 0 : i32
    %dma_start3A_11 = tpu.memref_slice %arg5[%dma_start3A_9, %dma_start3A_10] : memref<200x128xi32, #tpu.memory_space<vmem>> -> memref<1x128xi32, #tpu.memory_space<vmem>>
    %dma_start3A_12 = tpu.memref_squeeze %dma_start3A_11 : memref<1x128xi32, #tpu.memory_space<vmem>> -> memref<128xi32, #tpu.memory_space<vmem>>
    %dma_start3A_13 = arith.constant 0 : i32
    %dma_start3A_14 = arith.constant 0 : i32
    %dma_start3A_15 = tpu.memref_slice %arg3[%dma_start3A_13, %dma_start3A_14] : memref<100000x128xf32, #tpu.memory_space<hbm>> -> memref<100000x128xf32, #tpu.memory_space<hbm>>
    tpu.enqueue_indirect_dma source(%dma_start3A_15 : memref<100000x128xf32, #tpu.memory_space<hbm>>) target(%arg7 : memref<128x128xf32, #tpu.memory_space<vmem>>) offsets(%dma_start3A_12 : memref<128xi32, #tpu.memory_space<vmem>>) semaphore(%arg11 : memref<!tpu.dma_semaphore, #tpu.memory_space<semaphore_mem>>)
    %scan3A = arith.constant 0 : i32
    %scan3A_16 = arith.constant 0 : i32
    %scan3A_17 = arith.constant 50 : i32
    %scan3A_18 = arith.addi %scan3A_16, %scan3A_17 : i32
    %scan3A_19 = arith.constant 1 : i32
    scf.for %scan3A_32 = %scan3A_16 to %scan3A_18 step %scan3A_19  : i32 {
      %mul3A_33 = arith.constant 4 : i32
      %mul3A_34 = arith.muli %scan3A_32, %mul3A_33 : i32
      %add3A_35 = arith.constant 0 : i32
      %add3A_36 = arith.addi %mul3A_34, %add3A_35 : i32
      %ge3A = arith.constant 2 : i32
      %ge3A_37 = arith.cmpi sge, %add3A_36, %ge3A : i32
      %convert_element_type3A = arith.extui %ge3A_37 : i1 to i32
      %cond3A = arith.constant 0 : i32
      %cond3A_38 = arith.cmpi ne, %convert_element_type3A, %cond3A : i32
      scf.if %cond3A_38 {
        %sub3A = arith.constant 2 : i32
        %sub3A_150 = arith.subi %add3A_36, %sub3A : i32
        %mul3A_151 = arith.constant 128 : i32
        %mul3A_152 = arith.muli %sub3A_150, %mul3A_151 : i32
        %add3A_153 = arith.addi %mul3A_2, %mul3A_152 : i32
        %dma_wait3A_154 = arith.constant 0 : i32
        %dma_wait3A_155 = tpu.memref_slice %arg4[%add3A_153, %dma_wait3A_154] : memref<819200x128xf32, #tpu.memory_space<hbm>> -> memref<128x128xf32, #tpu.memory_space<hbm>>
        %dma_wait3A_156 = arith.constant 0 : i32
        %dma_wait3A_157 = tpu.memref_slice %arg4[%add3A_153, %dma_wait3A_156] : memref<819200x128xf32, #tpu.memory_space<hbm>> -> memref<128x128xf32, #tpu.memory_space<hbm>>
        tpu.wait_dma2 semaphore(%arg16 : memref<!tpu.dma_semaphore, #tpu.memory_space<semaphore_mem>>) src(%arg8 : memref<128x128xf32, #tpu.memory_space<vmem>>) dst(%dma_wait3A_157 : memref<128x128xf32, #tpu.memory_space<hbm>>)
      } else {
      }
      %add3A_39 = arith.constant 2 : i32
      %add3A_40 = arith.addi %add3A_36, %add3A_39 : i32
      %lt3A = arith.constant 200 : i32
      %lt3A_41 = arith.cmpi slt, %add3A_40, %lt3A : i32
      %convert_element_type3A_42 = arith.extui %lt3A_41 : i1 to i32
      %cond3A_43 = arith.constant 0 : i32
      %cond3A_44 = arith.cmpi ne, %convert_element_type3A_42, %cond3A_43 : i32
      scf.if %cond3A_44 {
        %add3A_150 = arith.constant 2 : i32
        %add3A_151 = arith.addi %add3A_36, %add3A_150 : i32
        %dma_start3A_152 = arith.constant 0 : i32
        %dma_start3A_153 = tpu.memref_slice %arg5[%add3A_151, %dma_start3A_152] : memref<200x128xi32, #tpu.memory_space<vmem>> -> memref<1x128xi32, #tpu.memory_space<vmem>>
        %dma_start3A_154 = tpu.memref_squeeze %dma_start3A_153 : memref<1x128xi32, #tpu.memory_space<vmem>> -> memref<128xi32, #tpu.memory_space<vmem>>
        %dma_start3A_155 = arith.constant 0 : i32
        %dma_start3A_156 = arith.constant 0 : i32
        %dma_start3A_157 = tpu.memref_slice %arg3[%dma_start3A_155, %dma_start3A_156] : memref<100000x128xf32, #tpu.memory_space<hbm>> -> memref<100000x128xf32, #tpu.memory_space<hbm>>
        tpu.enqueue_indirect_dma source(%dma_start3A_157 : memref<100000x128xf32, #tpu.memory_space<hbm>>) target(%arg8 : memref<128x128xf32, #tpu.memory_space<vmem>>) offsets(%dma_start3A_154 : memref<128xi32, #tpu.memory_space<vmem>>) semaphore(%arg12 : memref<!tpu.dma_semaphore, #tpu.memory_space<semaphore_mem>>)
      } else {
      }
      %dma_wait3A_45 = arith.constant 0 : i32
      %dma_wait3A_46 = tpu.memref_slice %arg5[%add3A_36, %dma_wait3A_45] : memref<200x128xi32, #tpu.memory_space<vmem>> -> memref<1x128xi32, #tpu.memory_space<vmem>>
      %dma_wait3A_47 = tpu.memref_squeeze %dma_wait3A_46 : memref<1x128xi32, #tpu.memory_space<vmem>> -> memref<128xi32, #tpu.memory_space<vmem>>
      %dma_wait3A_48 = arith.constant 0 : i32
      %dma_wait3A_49 = arith.constant 0 : i32
      %dma_wait3A_50 = tpu.memref_slice %arg3[%dma_wait3A_48, %dma_wait3A_49] : memref<100000x128xf32, #tpu.memory_space<hbm>> -> memref<100000x128xf32, #tpu.memory_space<hbm>>
      tpu.wait_indirect_dma semaphore(%arg10 : memref<!tpu.dma_semaphore, #tpu.memory_space<semaphore_mem>>) src(%dma_wait3A_50 : memref<100000x128xf32, #tpu.memory_space<hbm>>) dst(%arg6 : memref<128x128xf32, #tpu.memory_space<vmem>>)
      %parallel_loop3A = arith.constant 0 : i32
      %parallel_loop3A_51 = arith.constant 128 : i32
      %parallel_loop3A_52 = arith.constant 1 : i32
      scf.for %parallel_loop3A_150 = %parallel_loop3A to %parallel_loop3A_51 step %parallel_loop3A_52  : i32 {
        %parallel_loop3A_151 = arith.index_cast %parallel_loop3A_150 : i32 to index
        %parallel_loop3A_152 = arith.constant 0 : index
        %parallel_loop3A_153 = tpu.vector_load %arg6[%parallel_loop3A_151, %parallel_loop3A_152] {strides = array<i32>} : memref<128x128xf32, #tpu.memory_space<vmem>>, vector<1x16xf32>,
        %parallel_loop3A_154 = vector.shape_cast %parallel_loop3A_153 : vector<1x16xf32> to vector<16xf32>
        %parallel_loop3A_155 = arith.constant 11.3137083 : f32
        %parallel_loop3A_156 = vector.broadcast %parallel_loop3A_155 : f32 to vector<16xf32>
        %parallel_loop3A_157 = arith.mulf %parallel_loop3A_154, %parallel_loop3A_156 : vector<16xf32>
        %parallel_loop3A_158 = arith.index_cast %parallel_loop3A_150 : i32 to index
        %parallel_loop3A_159 = arith.constant 0 : index
        %parallel_loop3A_160 = tpu.vector_load %arg6[%parallel_loop3A_158, %parallel_loop3A_159] {strides = array<i32>} : memref<128x128xf32, #tpu.memory_space<vmem>>, vector<1x16xf32>,
        %parallel_loop3A_161 = vector.shape_cast %parallel_loop3A_160 : vector<1x16xf32> to vector<16xf32>
        %parallel_loop3A_162 = vector.shape_cast %parallel_loop3A_157 : vector<16xf32> to vector<1x16xf32>
        tpu.vector_store %arg6[%parallel_loop3A_158, %parallel_loop3A_159], %parallel_loop3A_162 {strides = array<i32>} : memref<128x128xf32, #tpu.memory_space<vmem>>, vector<1x16xf32>,
        %parallel_loop3A_163 = arith.index_cast %parallel_loop3A_150 : i32 to index
        %parallel_loop3A_164 = arith.constant 16 : index
        %parallel_loop3A_165 = tpu.vector_load %arg6[%parallel_loop3A_163, %parallel_loop3A_164] {strides = array<i32>} : memref<128x128xf32, #tpu.memory_space<vmem>>, vector<1x16xf32>,
        %parallel_loop3A_166 = vector.shape_cast %parallel_loop3A_165 : vector<1x16xf32> to vector<16xf32>
        %parallel_loop3A_167 = arith.constant 11.3137083 : f32
        %parallel_loop3A_168 = vector.broadcast %parallel_loop3A_167 : f32 to vector<16xf32>
        %parallel_loop3A_169 = arith.mulf %parallel_loop3A_166, %parallel_loop3A_168 : vector<16xf32>
        %parallel_loop3A_170 = arith.index_cast %parallel_loop3A_150 : i32 to index
        %parallel_loop3A_171 = arith.constant 16 : index
        %parallel_loop3A_172 = tpu.vector_load %arg6[%parallel_loop3A_170, %parallel_loop3A_171] {strides = array<i32>} : memref<128x128xf32, #tpu.memory_space<vmem>>, vector<1x16xf32>,
        %parallel_loop3A_173 = vector.shape_cast %parallel_loop3A_172 : vector<1x16xf32> to vector<16xf32>
        %parallel_loop3A_174 = vector.shape_cast %parallel_loop3A_169 : vector<16xf32> to vector<1x16xf32>
        tpu.vector_store %arg6[%parallel_loop3A_170, %parallel_loop3A_171], %parallel_loop3A_174 {strides = array<i32>} : memref<128x128xf32, #tpu.memory_space<vmem>>, vector<1x16xf32>,
        %parallel_loop3A_175 = arith.index_cast %parallel_loop3A_150 : i32 to index
        %parallel_loop3A_176 = arith.constant 32 : index
        %parallel_loop3A_177 = tpu.vector_load %arg6[%parallel_loop3A_175, %parallel_loop3A_176] {strides = array<i32>} : memref<128x128xf32, #tpu.memory_space<vmem>>, vector<1x16xf32>,
        %parallel_loop3A_178 = vector.shape_cast %parallel_loop3A_177 : vector<1x16xf32> to vector<16xf32>
        %parallel_loop3A_179 = arith.constant 11.3137083 : f32
        %parallel_loop3A_180 = vector.broadcast %parallel_loop3A_179 : f32 to vector<16xf32>
        %parallel_loop3A_181 = arith.mulf %parallel_loop3A_178, %parallel_loop3A_180 : vector<16xf32>
        %parallel_loop3A_182 = arith.index_cast %parallel_loop3A_150 : i32 to index
        %parallel_loop3A_183 = arith.constant 32 : index
        %parallel_loop3A_184 = tpu.vector_load %arg6[%parallel_loop3A_182, %parallel_loop3A_183] {strides = array<i32>} : memref<128x128xf32, #tpu.memory_space<vmem>>, vector<1x16xf32>,
        %parallel_loop3A_185 = vector.shape_cast %parallel_loop3A_184 : vector<1x16xf32> to vector<16xf32>
        %parallel_loop3A_186 = vector.shape_cast %parallel_loop3A_181 : vector<16xf32> to vector<1x16xf32>
        tpu.vector_store %arg6[%parallel_loop3A_182, %parallel_loop3A_183], %parallel_loop3A_186 {strides = array<i32>} : memref<128x128xf32, #tpu.memory_space<vmem>>, vector<1x16xf32>,
        %parallel_loop3A_187 = arith.index_cast %parallel_loop3A_150 : i32 to index
        %parallel_loop3A_188 = arith.constant 48 : index
        %parallel_loop3A_189 = tpu.vector_load %arg6[%parallel_loop3A_187, %parallel_loop3A_188] {strides = array<i32>} : memref<128x128xf32, #tpu.memory_space<vmem>>, vector<1x16xf32>,
        %parallel_loop3A_190 = vector.shape_cast %parallel_loop3A_189 : vector<1x16xf32> to vector<16xf32>
        %parallel_loop3A_191 = arith.constant 11.3137083 : f32
        %parallel_loop3A_192 = vector.broadcast %parallel_loop3A_191 : f32 to vector<16xf32>
        %parallel_loop3A_193 = arith.mulf %parallel_loop3A_190, %parallel_loop3A_192 : vector<16xf32>
        %parallel_loop3A_194 = arith.index_cast %parallel_loop3A_150 : i32 to index
        %parallel_loop3A_195 = arith.constant 48 : index
        %parallel_loop3A_196 = tpu.vector_load %arg6[%parallel_loop3A_194, %parallel_loop3A_195] {strides = array<i32>} : memref<128x128xf32, #tpu.memory_space<vmem>>, vector<1x16xf32>,
        %parallel_loop3A_197 = vector.shape_cast %parallel_loop3A_196 : vector<1x16xf32> to vector<16xf32>
        %parallel_loop3A_198 = vector.shape_cast %parallel_loop3A_193 : vector<16xf32> to vector<1x16xf32>
        tpu.vector_store %arg6[%parallel_loop3A_194, %parallel_loop3A_195], %parallel_loop3A_198 {strides = array<i32>} : memref<128x128xf32, #tpu.memory_space<vmem>>, vector<1x16xf32>,
        %parallel_loop3A_199 = arith.index_cast %parallel_loop3A_150 : i32 to index
        %parallel_loop3A_200 = arith.constant 64 : index
        %parallel_loop3A_201 = tpu.vector_load %arg6[%parallel_loop3A_199, %parallel_loop3A_200] {strides = array<i32>} : memref<128x128xf32, #tpu.memory_space<vmem>>, vector<1x16xf32>,
        %parallel_loop3A_202 = vector.shape_cast %parallel_loop3A_201 : vector<1x16xf32> to vector<16xf32>
        %parallel_loop3A_203 = arith.constant 11.3137083 : f32
        %parallel_loop3A_204 = vector.broadcast %parallel_loop3A_203 : f32 to vector<16xf32>
        %parallel_loop3A_205 = arith.mulf %parallel_loop3A_202, %parallel_loop3A_204 : vector<16xf32>
        %parallel_loop3A_206 = arith.index_cast %parallel_loop3A_150 : i32 to index
        %parallel_loop3A_207 = arith.constant 64 : index
        %parallel_loop3A_208 = tpu.vector_load %arg6[%parallel_loop3A_206, %parallel_loop3A_207] {strides = array<i32>} : memref<128x128xf32, #tpu.memory_space<vmem>>, vector<1x16xf32>,
        %parallel_loop3A_209 = vector.shape_cast %parallel_loop3A_208 : vector<1x16xf32> to vector<16xf32>
        %parallel_loop3A_210 = vector.shape_cast %parallel_loop3A_205 : vector<16xf32> to vector<1x16xf32>
        tpu.vector_store %arg6[%parallel_loop3A_206, %parallel_loop3A_207], %parallel_loop3A_210 {strides = array<i32>} : memref<128x128xf32, #tpu.memory_space<vmem>>, vector<1x16xf32>,
        %parallel_loop3A_211 = arith.index_cast %parallel_loop3A_150 : i32 to index
        %parallel_loop3A_212 = arith.constant 80 : index
        %parallel_loop3A_213 = tpu.vector_load %arg6[%parallel_loop3A_211, %parallel_loop3A_212] {strides = array<i32>} : memref<128x128xf32, #tpu.memory_space<vmem>>, vector<1x16xf32>,
        %parallel_loop3A_214 = vector.shape_cast %parallel_loop3A_213 : vector<1x16xf32> to vector<16xf32>
        %parallel_loop3A_215 = arith.constant 11.3137083 : f32
        %parallel_loop3A_216 = vector.broadcast %parallel_loop3A_215 : f32 to vector<16xf32>
        %parallel_loop3A_217 = arith.mulf %parallel_loop3A_214, %parallel_loop3A_216 : vector<16xf32>
        %parallel_loop3A_218 = arith.index_cast %parallel_loop3A_150 : i32 to index
        %parallel_loop3A_219 = arith.constant 80 : index
        %parallel_loop3A_220 = tpu.vector_load %arg6[%parallel_loop3A_218, %parallel_loop3A_219] {strides = array<i32>} : memref<128x128xf32, #tpu.memory_space<vmem>>, vector<1x16xf32>,
        %parallel_loop3A_221 = vector.shape_cast %parallel_loop3A_220 : vector<1x16xf32> to vector<16xf32>
        %parallel_loop3A_222 = vector.shape_cast %parallel_loop3A_217 : vector<16xf32> to vector<1x16xf32>
        tpu.vector_store %arg6[%parallel_loop3A_218, %parallel_loop3A_219], %parallel_loop3A_222 {strides = array<i32>} : memref<128x128xf32, #tpu.memory_space<vmem>>, vector<1x16xf32>,
        %parallel_loop3A_223 = arith.index_cast %parallel_loop3A_150 : i32 to index
        %parallel_loop3A_224 = arith.constant 96 : index
        %parallel_loop3A_225 = tpu.vector_load %arg6[%parallel_loop3A_223, %parallel_loop3A_224] {strides = array<i32>} : memref<128x128xf32, #tpu.memory_space<vmem>>, vector<1x16xf32>,
        %parallel_loop3A_226 = vector.shape_cast %parallel_loop3A_225 : vector<1x16xf32> to vector<16xf32>
        %parallel_loop3A_227 = arith.constant 11.3137083 : f32
        %parallel_loop3A_228 = vector.broadcast %parallel_loop3A_227 : f32 to vector<16xf32>
        %parallel_loop3A_229 = arith.mulf %parallel_loop3A_226, %parallel_loop3A_228 : vector<16xf32>
        %parallel_loop3A_230 = arith.index_cast %parallel_loop3A_150 : i32 to index
        %parallel_loop3A_231 = arith.constant 96 : index
        %parallel_loop3A_232 = tpu.vector_load %arg6[%parallel_loop3A_230, %parallel_loop3A_231] {strides = array<i32>} : memref<128x128xf32, #tpu.memory_space<vmem>>, vector<1x16xf32>,
        %parallel_loop3A_233 = vector.shape_cast %parallel_loop3A_232 : vector<1x16xf32> to vector<16xf32>
        %parallel_loop3A_234 = vector.shape_cast %parallel_loop3A_229 : vector<16xf32> to vector<1x16xf32>
        tpu.vector_store %arg6[%parallel_loop3A_230, %parallel_loop3A_231], %parallel_loop3A_234 {strides = array<i32>} : memref<128x128xf32, #tpu.memory_space<vmem>>, vector<1x16xf32>,
        %parallel_loop3A_235 = arith.index_cast %parallel_loop3A_150 : i32 to index
        %parallel_loop3A_236 = arith.constant 112 : index
        %parallel_loop3A_237 = tpu.vector_load %arg6[%parallel_loop3A_235, %parallel_loop3A_236] {strides = array<i32>} : memref<128x128xf32, #tpu.memory_space<vmem>>, vector<1x16xf32>,
        %parallel_loop3A_238 = vector.shape_cast %parallel_loop3A_237 : vector<1x16xf32> to vector<16xf32>
        %parallel_loop3A_239 = arith.constant 11.3137083 : f32
        %parallel_loop3A_240 = vector.broadcast %parallel_loop3A_239 : f32 to vector<16xf32>
        %parallel_loop3A_241 = arith.mulf %parallel_loop3A_238, %parallel_loop3A_240 : vector<16xf32>
        %parallel_loop3A_242 = arith.index_cast %parallel_loop3A_150 : i32 to index
        %parallel_loop3A_243 = arith.constant 112 : index
        %parallel_loop3A_244 = tpu.vector_load %arg6[%parallel_loop3A_242, %parallel_loop3A_243] {strides = array<i32>} : memref<128x128xf32, #tpu.memory_space<vmem>>, vector<1x16xf32>,
        %parallel_loop3A_245 = vector.shape_cast %parallel_loop3A_244 : vector<1x16xf32> to vector<16xf32>
        %parallel_loop3A_246 = vector.shape_cast %parallel_loop3A_241 : vector<16xf32> to vector<1x16xf32>
        tpu.vector_store %arg6[%parallel_loop3A_242, %parallel_loop3A_243], %parallel_loop3A_246 {strides = array<i32>} : memref<128x128xf32, #tpu.memory_space<vmem>>, vector<1x16xf32>,
      } {sc.loop_unroll_factor = 4 : i64, sc.parallel_access}
      %mul3A_53 = arith.constant 128 : i32
      %mul3A_54 = arith.muli %add3A_36, %mul3A_53 : i32
      %add3A_55 = arith.addi %mul3A_2, %mul3A_54 : i32
      %dma_start3A_56 = arith.constant 0 : i32
      %dma_start3A_57 = tpu.memref_slice %arg4[%add3A_55, %dma_start3A_56] : memref<819200x128xf32, #tpu.memory_space<hbm>> -> memref<128x128xf32, #tpu.memory_space<hbm>>
      %dma_start3A_58 = arith.constant 0 : i32
      %dma_start3A_59 = tpu.memref_slice %arg4[%add3A_55, %dma_start3A_58] : memref<819200x128xf32, #tpu.memory_space<hbm>> -> memref<128x128xf32, #tpu.memory_space<hbm>>
      tpu.enqueue_dma source(%arg6 : memref<128x128xf32, #tpu.memory_space<vmem>>) target(%dma_start3A_59 : memref<128x128xf32, #tpu.memory_space<hbm>>) target_semaphore(%arg14 : memref<!tpu.dma_semaphore, #tpu.memory_space<semaphore_mem>>)
      %add3A_60 = arith.constant 1 : i32
      %add3A_61 = arith.addi %mul3A_34, %add3A_60 : i32
      %ge3A_62 = arith.constant 2 : i32
      %ge3A_63 = arith.cmpi sge, %add3A_61, %ge3A_62 : i32
      %convert_element_type3A_64 = arith.extui %ge3A_63 : i1 to i32
      %cond3A_65 = arith.constant 0 : i32
      %cond3A_66 = arith.cmpi ne, %convert_element_type3A_64, %cond3A_65 : i32
      scf.if %cond3A_66 {
        %sub3A = arith.constant 2 : i32
        %sub3A_150 = arith.subi %add3A_61, %sub3A : i32
        %mul3A_151 = arith.constant 128 : i32
        %mul3A_152 = arith.muli %sub3A_150, %mul3A_151 : i32
        %add3A_153 = arith.addi %mul3A_2, %mul3A_152 : i32
        %dma_wait3A_154 = arith.constant 0 : i32
        %dma_wait3A_155 = tpu.memref_slice %arg4[%add3A_153, %dma_wait3A_154] : memref<819200x128xf32, #tpu.memory_space<hbm>> -> memref<128x128xf32, #tpu.memory_space<hbm>>
        %dma_wait3A_156 = arith.constant 0 : i32
        %dma_wait3A_157 = tpu.memref_slice %arg4[%add3A_153, %dma_wait3A_156] : memref<819200x128xf32, #tpu.memory_space<hbm>> -> memref<128x128xf32, #tpu.memory_space<hbm>>
        tpu.wait_dma2 semaphore(%arg17 : memref<!tpu.dma_semaphore, #tpu.memory_space<semaphore_mem>>) src(%arg9 : memref<128x128xf32, #tpu.memory_space<vmem>>) dst(%dma_wait3A_157 : memref<128x128xf32, #tpu.memory_space<hbm>>)
      } else {
      }
      %add3A_67 = arith.constant 2 : i32
      %add3A_68 = arith.addi %add3A_61, %add3A_67 : i32
      %lt3A_69 = arith.constant 200 : i32
      %lt3A_70 = arith.cmpi slt, %add3A_68, %lt3A_69 : i32
      %convert_element_type3A_71 = arith.extui %lt3A_70 : i1 to i32
      %cond3A_72 = arith.constant 0 : i32
      %cond3A_73 = arith.cmpi ne, %convert_element_type3A_71, %cond3A_72 : i32
      scf.if %cond3A_73 {
        %add3A_150 = arith.constant 2 : i32
        %add3A_151 = arith.addi %add3A_61, %add3A_150 : i32
        %dma_start3A_152 = arith.constant 0 : i32
        %dma_start3A_153 = tpu.memref_slice %arg5[%add3A_151, %dma_start3A_152] : memref<200x128xi32, #tpu.memory_space<vmem>> -> memref<1x128xi32, #tpu.memory_space<vmem>>
        %dma_start3A_154 = tpu.memref_squeeze %dma_start3A_153 : memref<1x128xi32, #tpu.memory_space<vmem>> -> memref<128xi32, #tpu.memory_space<vmem>>
        %dma_start3A_155 = arith.constant 0 : i32
        %dma_start3A_156 = arith.constant 0 : i32
        %dma_start3A_157 = tpu.memref_slice %arg3[%dma_start3A_155, %dma_start3A_156] : memref<100000x128xf32, #tpu.memory_space<hbm>> -> memref<100000x128xf32, #tpu.memory_space<hbm>>
        tpu.enqueue_indirect_dma source(%dma_start3A_157 : memref<100000x128xf32, #tpu.memory_space<hbm>>) target(%arg9 : memref<128x128xf32, #tpu.memory_space<vmem>>) offsets(%dma_start3A_154 : memref<128xi32, #tpu.memory_space<vmem>>) semaphore(%arg13 : memref<!tpu.dma_semaphore, #tpu.memory_space<semaphore_mem>>)
      } else {
      }
      %dma_wait3A_74 = arith.constant 0 : i32
      %dma_wait3A_75 = tpu.memref_slice %arg5[%add3A_61, %dma_wait3A_74] : memref<200x128xi32, #tpu.memory_space<vmem>> -> memref<1x128xi32, #tpu.memory_space<vmem>>
      %dma_wait3A_76 = tpu.memref_squeeze %dma_wait3A_75 : memref<1x128xi32, #tpu.memory_space<vmem>> -> memref<128xi32, #tpu.memory_space<vmem>>
      %dma_wait3A_77 = arith.constant 0 : i32
      %dma_wait3A_78 = arith.constant 0 : i32
      %dma_wait3A_79 = tpu.memref_slice %arg3[%dma_wait3A_77, %dma_wait3A_78] : memref<100000x128xf32, #tpu.memory_space<hbm>> -> memref<100000x128xf32, #tpu.memory_space<hbm>>
      tpu.wait_indirect_dma semaphore(%arg11 : memref<!tpu.dma_semaphore, #tpu.memory_space<semaphore_mem>>) src(%dma_wait3A_79 : memref<100000x128xf32, #tpu.memory_space<hbm>>) dst(%arg7 : memref<128x128xf32, #tpu.memory_space<vmem>>)
      %parallel_loop3A_80 = arith.constant 0 : i32
      %parallel_loop3A_81 = arith.constant 128 : i32
      %parallel_loop3A_82 = arith.constant 1 : i32
      scf.for %parallel_loop3A_150 = %parallel_loop3A_80 to %parallel_loop3A_81 step %parallel_loop3A_82  : i32 {
        %parallel_loop3A_151 = arith.index_cast %parallel_loop3A_150 : i32 to index
        %parallel_loop3A_152 = arith.constant 0 : index
        %parallel_loop3A_153 = tpu.vector_load %arg7[%parallel_loop3A_151, %parallel_loop3A_152] {strides = array<i32>} : memref<128x128xf32, #tpu.memory_space<vmem>>, vector<1x16xf32>,
        %parallel_loop3A_154 = vector.shape_cast %parallel_loop3A_153 : vector<1x16xf32> to vector<16xf32>
        %parallel_loop3A_155 = arith.constant 11.3137083 : f32
        %parallel_loop3A_156 = vector.broadcast %parallel_loop3A_155 : f32 to vector<16xf32>
        %parallel_loop3A_157 = arith.mulf %parallel_loop3A_154, %parallel_loop3A_156 : vector<16xf32>
        %parallel_loop3A_158 = arith.index_cast %parallel_loop3A_150 : i32 to index
        %parallel_loop3A_159 = arith.constant 0 : index
        %parallel_loop3A_160 = tpu.vector_load %arg7[%parallel_loop3A_158, %parallel_loop3A_159] {strides = array<i32>} : memref<128x128xf32, #tpu.memory_space<vmem>>, vector<1x16xf32>,
        %parallel_loop3A_161 = vector.shape_cast %parallel_loop3A_160 : vector<1x16xf32> to vector<16xf32>
        %parallel_loop3A_162 = vector.shape_cast %parallel_loop3A_157 : vector<16xf32> to vector<1x16xf32>
        tpu.vector_store %arg7[%parallel_loop3A_158, %parallel_loop3A_159], %parallel_loop3A_162 {strides = array<i32>} : memref<128x128xf32, #tpu.memory_space<vmem>>, vector<1x16xf32>,
        %parallel_loop3A_163 = arith.index_cast %parallel_loop3A_150 : i32 to index
        %parallel_loop3A_164 = arith.constant 16 : index
        %parallel_loop3A_165 = tpu.vector_load %arg7[%parallel_loop3A_163, %parallel_loop3A_164] {strides = array<i32>} : memref<128x128xf32, #tpu.memory_space<vmem>>, vector<1x16xf32>,
        %parallel_loop3A_166 = vector.shape_cast %parallel_loop3A_165 : vector<1x16xf32> to vector<16xf32>
        %parallel_loop3A_167 = arith.constant 11.3137083 : f32
        %parallel_loop3A_168 = vector.broadcast %parallel_loop3A_167 : f32 to vector<16xf32>
        %parallel_loop3A_169 = arith.mulf %parallel_loop3A_166, %parallel_loop3A_168 : vector<16xf32>
        %parallel_loop3A_170 = arith.index_cast %parallel_loop3A_150 : i32 to index
        %parallel_loop3A_171 = arith.constant 16 : index
        %parallel_loop3A_172 = tpu.vector_load %arg7[%parallel_loop3A_170, %parallel_loop3A_171] {strides = array<i32>} : memref<128x128xf32, #tpu.memory_space<vmem>>, vector<1x16xf32>,
        %parallel_loop3A_173 = vector.shape_cast %parallel_loop3A_172 : vector<1x16xf32> to vector<16xf32>
        %parallel_loop3A_174 = vector.shape_cast %parallel_loop3A_169 : vector<16xf32> to vector<1x16xf32>
        tpu.vector_store %arg7[%parallel_loop3A_170, %parallel_loop3A_171], %parallel_loop3A_174 {strides = array<i32>} : memref<128x128xf32, #tpu.memory_space<vmem>>, vector<1x16xf32>,
        %parallel_loop3A_175 = arith.index_cast %parallel_loop3A_150 : i32 to index
        %parallel_loop3A_176 = arith.constant 32 : index
        %parallel_loop3A_177 = tpu.vector_load %arg7[%parallel_loop3A_175, %parallel_loop3A_176] {strides = array<i32>} : memref<128x128xf32, #tpu.memory_space<vmem>>, vector<1x16xf32>,
        %parallel_loop3A_178 = vector.shape_cast %parallel_loop3A_177 : vector<1x16xf32> to vector<16xf32>
        %parallel_loop3A_179 = arith.constant 11.3137083 : f32
        %parallel_loop3A_180 = vector.broadcast %parallel_loop3A_179 : f32 to vector<16xf32>
        %parallel_loop3A_181 = arith.mulf %parallel_loop3A_178, %parallel_loop3A_180 : vector<16xf32>
        %parallel_loop3A_182 = arith.index_cast %parallel_loop3A_150 : i32 to index
        %parallel_loop3A_183 = arith.constant 32 : index
        %parallel_loop3A_184 = tpu.vector_load %arg7[%parallel_loop3A_182, %parallel_loop3A_183] {strides = array<i32>} : memref<128x128xf32, #tpu.memory_space<vmem>>, vector<1x16xf32>,
        %parallel_loop3A_185 = vector.shape_cast %parallel_loop3A_184 : vector<1x16xf32> to vector<16xf32>
        %parallel_loop3A_186 = vector.shape_cast %parallel_loop3A_181 : vector<16xf32> to vector<1x16xf32>
        tpu.vector_store %arg7[%parallel_loop3A_182, %parallel_loop3A_183], %parallel_loop3A_186 {strides = array<i32>} : memref<128x128xf32, #tpu.memory_space<vmem>>, vector<1x16xf32>,
        %parallel_loop3A_187 = arith.index_cast %parallel_loop3A_150 : i32 to index
        %parallel_loop3A_188 = arith.constant 48 : index
        %parallel_loop3A_189 = tpu.vector_load %arg7[%parallel_loop3A_187, %parallel_loop3A_188] {strides = array<i32>} : memref<128x128xf32, #tpu.memory_space<vmem>>, vector<1x16xf32>,
        %parallel_loop3A_190 = vector.shape_cast %parallel_loop3A_189 : vector<1x16xf32> to vector<16xf32>
        %parallel_loop3A_191 = arith.constant 11.3137083 : f32
        %parallel_loop3A_192 = vector.broadcast %parallel_loop3A_191 : f32 to vector<16xf32>
        %parallel_loop3A_193 = arith.mulf %parallel_loop3A_190, %parallel_loop3A_192 : vector<16xf32>
        %parallel_loop3A_194 = arith.index_cast %parallel_loop3A_150 : i32 to index
        %parallel_loop3A_195 = arith.constant 48 : index
        %parallel_loop3A_196 = tpu.vector_load %arg7[%parallel_loop3A_194, %parallel_loop3A_195] {strides = array<i32>} : memref<128x128xf32, #tpu.memory_space<vmem>>, vector<1x16xf32>,
        %parallel_loop3A_197 = vector.shape_cast %parallel_loop3A_196 : vector<1x16xf32> to vector<16xf32>
        %parallel_loop3A_198 = vector.shape_cast %parallel_loop3A_193 : vector<16xf32> to vector<1x16xf32>
        tpu.vector_store %arg7[%parallel_loop3A_194, %parallel_loop3A_195], %parallel_loop3A_198 {strides = array<i32>} : memref<128x128xf32, #tpu.memory_space<vmem>>, vector<1x16xf32>,
        %parallel_loop3A_199 = arith.index_cast %parallel_loop3A_150 : i32 to index
        %parallel_loop3A_200 = arith.constant 64 : index
        %parallel_loop3A_201 = tpu.vector_load %arg7[%parallel_loop3A_199, %parallel_loop3A_200] {strides = array<i32>} : memref<128x128xf32, #tpu.memory_space<vmem>>, vector<1x16xf32>,
        %parallel_loop3A_202 = vector.shape_cast %parallel_loop3A_201 : vector<1x16xf32> to vector<16xf32>
        %parallel_loop3A_203 = arith.constant 11.3137083 : f32
        %parallel_loop3A_204 = vector.broadcast %parallel_loop3A_203 : f32 to vector<16xf32>
        %parallel_loop3A_205 = arith.mulf %parallel_loop3A_202, %parallel_loop3A_204 : vector<16xf32>
        %parallel_loop3A_206 = arith.index_cast %parallel_loop3A_150 : i32 to index
        %parallel_loop3A_207 = arith.constant 64 : index
        %parallel_loop3A_208 = tpu.vector_load %arg7[%parallel_loop3A_206, %parallel_loop3A_207] {strides = array<i32>} : memref<128x128xf32, #tpu.memory_space<vmem>>, vector<1x16xf32>,
        %parallel_loop3A_209 = vector.shape_cast %parallel_loop3A_208 : vector<1x16xf32> to vector<16xf32>
        %parallel_loop3A_210 = vector.shape_cast %parallel_loop3A_205 : vector<16xf32> to vector<1x16xf32>
        tpu.vector_store %arg7[%parallel_loop3A_206, %parallel_loop3A_207], %parallel_loop3A_210 {strides = array<i32>} : memref<128x128xf32, #tpu.memory_space<vmem>>, vector<1x16xf32>,
        %parallel_loop3A_211 = arith.index_cast %parallel_loop3A_150 : i32 to index
        %parallel_loop3A_212 = arith.constant 80 : index
        %parallel_loop3A_213 = tpu.vector_load %arg7[%parallel_loop3A_211, %parallel_loop3A_212] {strides = array<i32>} : memref<128x128xf32, #tpu.memory_space<vmem>>, vector<1x16xf32>,
        %parallel_loop3A_214 = vector.shape_cast %parallel_loop3A_213 : vector<1x16xf32> to vector<16xf32>
        %parallel_loop3A_215 = arith.constant 11.3137083 : f32
        %parallel_loop3A_216 = vector.broadcast %parallel_loop3A_215 : f32 to vector<16xf32>
        %parallel_loop3A_217 = arith.mulf %parallel_loop3A_214, %parallel_loop3A_216 : vector<16xf32>
        %parallel_loop3A_218 = arith.index_cast %parallel_loop3A_150 : i32 to index
        %parallel_loop3A_219 = arith.constant 80 : index
        %parallel_loop3A_220 = tpu.vector_load %arg7[%parallel_loop3A_218, %parallel_loop3A_219] {strides = array<i32>} : memref<128x128xf32, #tpu.memory_space<vmem>>, vector<1x16xf32>,
        %parallel_loop3A_221 = vector.shape_cast %parallel_loop3A_220 : vector<1x16xf32> to vector<16xf32>
        %parallel_loop3A_222 = vector.shape_cast %parallel_loop3A_217 : vector<16xf32> to vector<1x16xf32>
        tpu.vector_store %arg7[%parallel_loop3A_218, %parallel_loop3A_219], %parallel_loop3A_222 {strides = array<i32>} : memref<128x128xf32, #tpu.memory_space<vmem>>, vector<1x16xf32>,
        %parallel_loop3A_223 = arith.index_cast %parallel_loop3A_150 : i32 to index
        %parallel_loop3A_224 = arith.constant 96 : index
        %parallel_loop3A_225 = tpu.vector_load %arg7[%parallel_loop3A_223, %parallel_loop3A_224] {strides = array<i32>} : memref<128x128xf32, #tpu.memory_space<vmem>>, vector<1x16xf32>,
        %parallel_loop3A_226 = vector.shape_cast %parallel_loop3A_225 : vector<1x16xf32> to vector<16xf32>
        %parallel_loop3A_227 = arith.constant 11.3137083 : f32
        %parallel_loop3A_228 = vector.broadcast %parallel_loop3A_227 : f32 to vector<16xf32>
        %parallel_loop3A_229 = arith.mulf %parallel_loop3A_226, %parallel_loop3A_228 : vector<16xf32>
        %parallel_loop3A_230 = arith.index_cast %parallel_loop3A_150 : i32 to index
        %parallel_loop3A_231 = arith.constant 96 : index
        %parallel_loop3A_232 = tpu.vector_load %arg7[%parallel_loop3A_230, %parallel_loop3A_231] {strides = array<i32>} : memref<128x128xf32, #tpu.memory_space<vmem>>, vector<1x16xf32>,
        %parallel_loop3A_233 = vector.shape_cast %parallel_loop3A_232 : vector<1x16xf32> to vector<16xf32>
        %parallel_loop3A_234 = vector.shape_cast %parallel_loop3A_229 : vector<16xf32> to vector<1x16xf32>
        tpu.vector_store %arg7[%parallel_loop3A_230, %parallel_loop3A_231], %parallel_loop3A_234 {strides = array<i32>} : memref<128x128xf32, #tpu.memory_space<vmem>>, vector<1x16xf32>,
        %parallel_loop3A_235 = arith.index_cast %parallel_loop3A_150 : i32 to index
        %parallel_loop3A_236 = arith.constant 112 : index
        %parallel_loop3A_237 = tpu.vector_load %arg7[%parallel_loop3A_235, %parallel_loop3A_236] {strides = array<i32>} : memref<128x128xf32, #tpu.memory_space<vmem>>, vector<1x16xf32>,
        %parallel_loop3A_238 = vector.shape_cast %parallel_loop3A_237 : vector<1x16xf32> to vector<16xf32>
        %parallel_loop3A_239 = arith.constant 11.3137083 : f32
        %parallel_loop3A_240 = vector.broadcast %parallel_loop3A_239 : f32 to vector<16xf32>
        %parallel_loop3A_241 = arith.mulf %parallel_loop3A_238, %parallel_loop3A_240 : vector<16xf32>
        %parallel_loop3A_242 = arith.index_cast %parallel_loop3A_150 : i32 to index
        %parallel_loop3A_243 = arith.constant 112 : index
        %parallel_loop3A_244 = tpu.vector_load %arg7[%parallel_loop3A_242, %parallel_loop3A_243] {strides = array<i32>} : memref<128x128xf32, #tpu.memory_space<vmem>>, vector<1x16xf32>,
        %parallel_loop3A_245 = vector.shape_cast %parallel_loop3A_244 : vector<1x16xf32> to vector<16xf32>
        %parallel_loop3A_246 = vector.shape_cast %parallel_loop3A_241 : vector<16xf32> to vector<1x16xf32>
        tpu.vector_store %arg7[%parallel_loop3A_242, %parallel_loop3A_243], %parallel_loop3A_246 {strides = array<i32>} : memref<128x128xf32, #tpu.memory_space<vmem>>, vector<1x16xf32>,
      } {sc.loop_unroll_factor = 4 : i64, sc.parallel_access}
      %mul3A_83 = arith.constant 128 : i32
      %mul3A_84 = arith.muli %add3A_61, %mul3A_83 : i32
      %add3A_85 = arith.addi %mul3A_2, %mul3A_84 : i32
      %dma_start3A_86 = arith.constant 0 : i32
      %dma_start3A_87 = tpu.memref_slice %arg4[%add3A_85, %dma_start3A_86] : memref<819200x128xf32, #tpu.memory_space<hbm>> -> memref<128x128xf32, #tpu.memory_space<hbm>>
      %dma_start3A_88 = arith.constant 0 : i32
      %dma_start3A_89 = tpu.memref_slice %arg4[%add3A_85, %dma_start3A_88] : memref<819200x128xf32, #tpu.memory_space<hbm>> -> memref<128x128xf32, #tpu.memory_space<hbm>>
      tpu.enqueue_dma source(%arg7 : memref<128x128xf32, #tpu.memory_space<vmem>>) target(%dma_start3A_89 : memref<128x128xf32, #tpu.memory_space<hbm>>) target_semaphore(%arg15 : memref<!tpu.dma_semaphore, #tpu.memory_space<semaphore_mem>>)
      %add3A_90 = arith.constant 2 : i32
      %add3A_91 = arith.addi %mul3A_34, %add3A_90 : i32
      %ge3A_92 = arith.constant 2 : i32
      %ge3A_93 = arith.cmpi sge, %add3A_91, %ge3A_92 : i32
      %convert_element_type3A_94 = arith.extui %ge3A_93 : i1 to i32
      %cond3A_95 = arith.constant 0 : i32
      %cond3A_96 = arith.cmpi ne, %convert_element_type3A_94, %cond3A_95 : i32
      scf.if %cond3A_96 {
        %sub3A = arith.constant 2 : i32
        %sub3A_150 = arith.subi %add3A_91, %sub3A : i32
        %mul3A_151 = arith.constant 128 : i32
        %mul3A_152 = arith.muli %sub3A_150, %mul3A_151 : i32
        %add3A_153 = arith.addi %mul3A_2, %mul3A_152 : i32
        %dma_wait3A_154 = arith.constant 0 : i32
        %dma_wait3A_155 = tpu.memref_slice %arg4[%add3A_153, %dma_wait3A_154] : memref<819200x128xf32, #tpu.memory_space<hbm>> -> memref<128x128xf32, #tpu.memory_space<hbm>>
        %dma_wait3A_156 = arith.constant 0 : i32
        %dma_wait3A_157 = tpu.memref_slice %arg4[%add3A_153, %dma_wait3A_156] : memref<819200x128xf32, #tpu.memory_space<hbm>> -> memref<128x128xf32, #tpu.memory_space<hbm>>
        tpu.wait_dma2 semaphore(%arg14 : memref<!tpu.dma_semaphore, #tpu.memory_space<semaphore_mem>>) src(%arg6 : memref<128x128xf32, #tpu.memory_space<vmem>>) dst(%dma_wait3A_157 : memref<128x128xf32, #tpu.memory_space<hbm>>)
      } else {
      }
      %add3A_97 = arith.constant 2 : i32
      %add3A_98 = arith.addi %add3A_91, %add3A_97 : i32
      %lt3A_99 = arith.constant 200 : i32
      %lt3A_100 = arith.cmpi slt, %add3A_98, %lt3A_99 : i32
      %convert_element_type3A_101 = arith.extui %lt3A_100 : i1 to i32
      %cond3A_102 = arith.constant 0 : i32
      %cond3A_103 = arith.cmpi ne, %convert_element_type3A_101, %cond3A_102 : i32
      scf.if %cond3A_103 {
        %add3A_150 = arith.constant 2 : i32
        %add3A_151 = arith.addi %add3A_91, %add3A_150 : i32
        %dma_start3A_152 = arith.constant 0 : i32
        %dma_start3A_153 = tpu.memref_slice %arg5[%add3A_151, %dma_start3A_152] : memref<200x128xi32, #tpu.memory_space<vmem>> -> memref<1x128xi32, #tpu.memory_space<vmem>>
        %dma_start3A_154 = tpu.memref_squeeze %dma_start3A_153 : memref<1x128xi32, #tpu.memory_space<vmem>> -> memref<128xi32, #tpu.memory_space<vmem>>
        %dma_start3A_155 = arith.constant 0 : i32
        %dma_start3A_156 = arith.constant 0 : i32
        %dma_start3A_157 = tpu.memref_slice %arg3[%dma_start3A_155, %dma_start3A_156] : memref<100000x128xf32, #tpu.memory_space<hbm>> -> memref<100000x128xf32, #tpu.memory_space<hbm>>
        tpu.enqueue_indirect_dma source(%dma_start3A_157 : memref<100000x128xf32, #tpu.memory_space<hbm>>) target(%arg6 : memref<128x128xf32, #tpu.memory_space<vmem>>) offsets(%dma_start3A_154 : memref<128xi32, #tpu.memory_space<vmem>>) semaphore(%arg10 : memref<!tpu.dma_semaphore, #tpu.memory_space<semaphore_mem>>)
      } else {
      }
      %dma_wait3A_104 = arith.constant 0 : i32
      %dma_wait3A_105 = tpu.memref_slice %arg5[%add3A_91, %dma_wait3A_104] : memref<200x128xi32, #tpu.memory_space<vmem>> -> memref<1x128xi32, #tpu.memory_space<vmem>>
      %dma_wait3A_106 = tpu.memref_squeeze %dma_wait3A_105 : memref<1x128xi32, #tpu.memory_space<vmem>> -> memref<128xi32, #tpu.memory_space<vmem>>
      %dma_wait3A_107 = arith.constant 0 : i32
      %dma_wait3A_108 = arith.constant 0 : i32
      %dma_wait3A_109 = tpu.memref_slice %arg3[%dma_wait3A_107, %dma_wait3A_108] : memref<100000x128xf32, #tpu.memory_space<hbm>> -> memref<100000x128xf32, #tpu.memory_space<hbm>>
      tpu.wait_indirect_dma semaphore(%arg12 : memref<!tpu.dma_semaphore, #tpu.memory_space<semaphore_mem>>) src(%dma_wait3A_109 : memref<100000x128xf32, #tpu.memory_space<hbm>>) dst(%arg8 : memref<128x128xf32, #tpu.memory_space<vmem>>)
      %parallel_loop3A_110 = arith.constant 0 : i32
      %parallel_loop3A_111 = arith.constant 128 : i32
      %parallel_loop3A_112 = arith.constant 1 : i32
      scf.for %parallel_loop3A_150 = %parallel_loop3A_110 to %parallel_loop3A_111 step %parallel_loop3A_112  : i32 {
        %parallel_loop3A_151 = arith.index_cast %parallel_loop3A_150 : i32 to index
        %parallel_loop3A_152 = arith.constant 0 : index
        %parallel_loop3A_153 = tpu.vector_load %arg8[%parallel_loop3A_151, %parallel_loop3A_152] {strides = array<i32>} : memref<128x128xf32, #tpu.memory_space<vmem>>, vector<1x16xf32>,
        %parallel_loop3A_154 = vector.shape_cast %parallel_loop3A_153 : vector<1x16xf32> to vector<16xf32>
        %parallel_loop3A_155 = arith.constant 11.3137083 : f32
        %parallel_loop3A_156 = vector.broadcast %parallel_loop3A_155 : f32 to vector<16xf32>
        %parallel_loop3A_157 = arith.mulf %parallel_loop3A_154, %parallel_loop3A_156 : vector<16xf32>
        %parallel_loop3A_158 = arith.index_cast %parallel_loop3A_150 : i32 to index
        %parallel_loop3A_159 = arith.constant 0 : index
        %parallel_loop3A_160 = tpu.vector_load %arg8[%parallel_loop3A_158, %parallel_loop3A_159] {strides = array<i32>} : memref<128x128xf32, #tpu.memory_space<vmem>>, vector<1x16xf32>,
        %parallel_loop3A_161 = vector.shape_cast %parallel_loop3A_160 : vector<1x16xf32> to vector<16xf32>
        %parallel_loop3A_162 = vector.shape_cast %parallel_loop3A_157 : vector<16xf32> to vector<1x16xf32>
        tpu.vector_store %arg8[%parallel_loop3A_158, %parallel_loop3A_159], %parallel_loop3A_162 {strides = array<i32>} : memref<128x128xf32, #tpu.memory_space<vmem>>, vector<1x16xf32>,
        %parallel_loop3A_163 = arith.index_cast %parallel_loop3A_150 : i32 to index
        %parallel_loop3A_164 = arith.constant 16 : index
        %parallel_loop3A_165 = tpu.vector_load %arg8[%parallel_loop3A_163, %parallel_loop3A_164] {strides = array<i32>} : memref<128x128xf32, #tpu.memory_space<vmem>>, vector<1x16xf32>,
        %parallel_loop3A_166 = vector.shape_cast %parallel_loop3A_165 : vector<1x16xf32> to vector<16xf32>
        %parallel_loop3A_167 = arith.constant 11.3137083 : f32
        %parallel_loop3A_168 = vector.broadcast %parallel_loop3A_167 : f32 to vector<16xf32>
        %parallel_loop3A_169 = arith.mulf %parallel_loop3A_166, %parallel_loop3A_168 : vector<16xf32>
        %parallel_loop3A_170 = arith.index_cast %parallel_loop3A_150 : i32 to index
        %parallel_loop3A_171 = arith.constant 16 : index
        %parallel_loop3A_172 = tpu.vector_load %arg8[%parallel_loop3A_170, %parallel_loop3A_171] {strides = array<i32>} : memref<128x128xf32, #tpu.memory_space<vmem>>, vector<1x16xf32>,
        %parallel_loop3A_173 = vector.shape_cast %parallel_loop3A_172 : vector<1x16xf32> to vector<16xf32>
        %parallel_loop3A_174 = vector.shape_cast %parallel_loop3A_169 : vector<16xf32> to vector<1x16xf32>
        tpu.vector_store %arg8[%parallel_loop3A_170, %parallel_loop3A_171], %parallel_loop3A_174 {strides = array<i32>} : memref<128x128xf32, #tpu.memory_space<vmem>>, vector<1x16xf32>,
        %parallel_loop3A_175 = arith.index_cast %parallel_loop3A_150 : i32 to index
        %parallel_loop3A_176 = arith.constant 32 : index
        %parallel_loop3A_177 = tpu.vector_load %arg8[%parallel_loop3A_175, %parallel_loop3A_176] {strides = array<i32>} : memref<128x128xf32, #tpu.memory_space<vmem>>, vector<1x16xf32>,
        %parallel_loop3A_178 = vector.shape_cast %parallel_loop3A_177 : vector<1x16xf32> to vector<16xf32>
        %parallel_loop3A_179 = arith.constant 11.3137083 : f32
        %parallel_loop3A_180 = vector.broadcast %parallel_loop3A_179 : f32 to vector<16xf32>
        %parallel_loop3A_181 = arith.mulf %parallel_loop3A_178, %parallel_loop3A_180 : vector<16xf32>
        %parallel_loop3A_182 = arith.index_cast %parallel_loop3A_150 : i32 to index
        %parallel_loop3A_183 = arith.constant 32 : index
        %parallel_loop3A_184 = tpu.vector_load %arg8[%parallel_loop3A_182, %parallel_loop3A_183] {strides = array<i32>} : memref<128x128xf32, #tpu.memory_space<vmem>>, vector<1x16xf32>,
        %parallel_loop3A_185 = vector.shape_cast %parallel_loop3A_184 : vector<1x16xf32> to vector<16xf32>
        %parallel_loop3A_186 = vector.shape_cast %parallel_loop3A_181 : vector<16xf32> to vector<1x16xf32>
        tpu.vector_store %arg8[%parallel_loop3A_182, %parallel_loop3A_183], %parallel_loop3A_186 {strides = array<i32>} : memref<128x128xf32, #tpu.memory_space<vmem>>, vector<1x16xf32>,
        %parallel_loop3A_187 = arith.index_cast %parallel_loop3A_150 : i32 to index
        %parallel_loop3A_188 = arith.constant 48 : index
        %parallel_loop3A_189 = tpu.vector_load %arg8[%parallel_loop3A_187, %parallel_loop3A_188] {strides = array<i32>} : memref<128x128xf32, #tpu.memory_space<vmem>>, vector<1x16xf32>,
        %parallel_loop3A_190 = vector.shape_cast %parallel_loop3A_189 : vector<1x16xf32> to vector<16xf32>
        %parallel_loop3A_191 = arith.constant 11.3137083 : f32
        %parallel_loop3A_192 = vector.broadcast %parallel_loop3A_191 : f32 to vector<16xf32>
        %parallel_loop3A_193 = arith.mulf %parallel_loop3A_190, %parallel_loop3A_192 : vector<16xf32>
        %parallel_loop3A_194 = arith.index_cast %parallel_loop3A_150 : i32 to index
        %parallel_loop3A_195 = arith.constant 48 : index
        %parallel_loop3A_196 = tpu.vector_load %arg8[%parallel_loop3A_194, %parallel_loop3A_195] {strides = array<i32>} : memref<128x128xf32, #tpu.memory_space<vmem>>, vector<1x16xf32>,
        %parallel_loop3A_197 = vector.shape_cast %parallel_loop3A_196 : vector<1x16xf32> to vector<16xf32>
        %parallel_loop3A_198 = vector.shape_cast %parallel_loop3A_193 : vector<16xf32> to vector<1x16xf32>
        tpu.vector_store %arg8[%parallel_loop3A_194, %parallel_loop3A_195], %parallel_loop3A_198 {strides = array<i32>} : memref<128x128xf32, #tpu.memory_space<vmem>>, vector<1x16xf32>,
        %parallel_loop3A_199 = arith.index_cast %parallel_loop3A_150 : i32 to index
        %parallel_loop3A_200 = arith.constant 64 : index
        %parallel_loop3A_201 = tpu.vector_load %arg8[%parallel_loop3A_199, %parallel_loop3A_200] {strides = array<i32>} : memref<128x128xf32, #tpu.memory_space<vmem>>, vector<1x16xf32>,
        %parallel_loop3A_202 = vector.shape_cast %parallel_loop3A_201 : vector<1x16xf32> to vector<16xf32>
        %parallel_loop3A_203 = arith.constant 11.3137083 : f32
        %parallel_loop3A_204 = vector.broadcast %parallel_loop3A_203 : f32 to vector<16xf32>
        %parallel_loop3A_205 = arith.mulf %parallel_loop3A_202, %parallel_loop3A_204 : vector<16xf32>
        %parallel_loop3A_206 = arith.index_cast %parallel_loop3A_150 : i32 to index
        %parallel_loop3A_207 = arith.constant 64 : index
        %parallel_loop3A_208 = tpu.vector_load %arg8[%parallel_loop3A_206, %parallel_loop3A_207] {strides = array<i32>} : memref<128x128xf32, #tpu.memory_space<vmem>>, vector<1x16xf32>,
        %parallel_loop3A_209 = vector.shape_cast %parallel_loop3A_208 : vector<1x16xf32> to vector<16xf32>
        %parallel_loop3A_210 = vector.shape_cast %parallel_loop3A_205 : vector<16xf32> to vector<1x16xf32>
        tpu.vector_store %arg8[%parallel_loop3A_206, %parallel_loop3A_207], %parallel_loop3A_210 {strides = array<i32>} : memref<128x128xf32, #tpu.memory_space<vmem>>, vector<1x16xf32>,
        %parallel_loop3A_211 = arith.index_cast %parallel_loop3A_150 : i32 to index
        %parallel_loop3A_212 = arith.constant 80 : index
        %parallel_loop3A_213 = tpu.vector_load %arg8[%parallel_loop3A_211, %parallel_loop3A_212] {strides = array<i32>} : memref<128x128xf32, #tpu.memory_space<vmem>>, vector<1x16xf32>,
        %parallel_loop3A_214 = vector.shape_cast %parallel_loop3A_213 : vector<1x16xf32> to vector<16xf32>
        %parallel_loop3A_215 = arith.constant 11.3137083 : f32
        %parallel_loop3A_216 = vector.broadcast %parallel_loop3A_215 : f32 to vector<16xf32>
        %parallel_loop3A_217 = arith.mulf %parallel_loop3A_214, %parallel_loop3A_216 : vector<16xf32>
        %parallel_loop3A_218 = arith.index_cast %parallel_loop3A_150 : i32 to index
        %parallel_loop3A_219 = arith.constant 80 : index
        %parallel_loop3A_220 = tpu.vector_load %arg8[%parallel_loop3A_218, %parallel_loop3A_219] {strides = array<i32>} : memref<128x128xf32, #tpu.memory_space<vmem>>, vector<1x16xf32>,
        %parallel_loop3A_221 = vector.shape_cast %parallel_loop3A_220 : vector<1x16xf32> to vector<16xf32>
        %parallel_loop3A_222 = vector.shape_cast %parallel_loop3A_217 : vector<16xf32> to vector<1x16xf32>
        tpu.vector_store %arg8[%parallel_loop3A_218, %parallel_loop3A_219], %parallel_loop3A_222 {strides = array<i32>} : memref<128x128xf32, #tpu.memory_space<vmem>>, vector<1x16xf32>,
        %parallel_loop3A_223 = arith.index_cast %parallel_loop3A_150 : i32 to index
        %parallel_loop3A_224 = arith.constant 96 : index
        %parallel_loop3A_225 = tpu.vector_load %arg8[%parallel_loop3A_223, %parallel_loop3A_224] {strides = array<i32>} : memref<128x128xf32, #tpu.memory_space<vmem>>, vector<1x16xf32>,
        %parallel_loop3A_226 = vector.shape_cast %parallel_loop3A_225 : vector<1x16xf32> to vector<16xf32>
        %parallel_loop3A_227 = arith.constant 11.3137083 : f32
        %parallel_loop3A_228 = vector.broadcast %parallel_loop3A_227 : f32 to vector<16xf32>
        %parallel_loop3A_229 = arith.mulf %parallel_loop3A_226, %parallel_loop3A_228 : vector<16xf32>
        %parallel_loop3A_230 = arith.index_cast %parallel_loop3A_150 : i32 to index
        %parallel_loop3A_231 = arith.constant 96 : index
        %parallel_loop3A_232 = tpu.vector_load %arg8[%parallel_loop3A_230, %parallel_loop3A_231] {strides = array<i32>} : memref<128x128xf32, #tpu.memory_space<vmem>>, vector<1x16xf32>,
        %parallel_loop3A_233 = vector.shape_cast %parallel_loop3A_232 : vector<1x16xf32> to vector<16xf32>
        %parallel_loop3A_234 = vector.shape_cast %parallel_loop3A_229 : vector<16xf32> to vector<1x16xf32>
        tpu.vector_store %arg8[%parallel_loop3A_230, %parallel_loop3A_231], %parallel_loop3A_234 {strides = array<i32>} : memref<128x128xf32, #tpu.memory_space<vmem>>, vector<1x16xf32>,
        %parallel_loop3A_235 = arith.index_cast %parallel_loop3A_150 : i32 to index
        %parallel_loop3A_236 = arith.constant 112 : index
        %parallel_loop3A_237 = tpu.vector_load %arg8[%parallel_loop3A_235, %parallel_loop3A_236] {strides = array<i32>} : memref<128x128xf32, #tpu.memory_space<vmem>>, vector<1x16xf32>,
        %parallel_loop3A_238 = vector.shape_cast %parallel_loop3A_237 : vector<1x16xf32> to vector<16xf32>
        %parallel_loop3A_239 = arith.constant 11.3137083 : f32
        %parallel_loop3A_240 = vector.broadcast %parallel_loop3A_239 : f32 to vector<16xf32>
        %parallel_loop3A_241 = arith.mulf %parallel_loop3A_238, %parallel_loop3A_240 : vector<16xf32>
        %parallel_loop3A_242 = arith.index_cast %parallel_loop3A_150 : i32 to index
        %parallel_loop3A_243 = arith.constant 112 : index
        %parallel_loop3A_244 = tpu.vector_load %arg8[%parallel_loop3A_242, %parallel_loop3A_243] {strides = array<i32>} : memref<128x128xf32, #tpu.memory_space<vmem>>, vector<1x16xf32>,
        %parallel_loop3A_245 = vector.shape_cast %parallel_loop3A_244 : vector<1x16xf32> to vector<16xf32>
        %parallel_loop3A_246 = vector.shape_cast %parallel_loop3A_241 : vector<16xf32> to vector<1x16xf32>
        tpu.vector_store %arg8[%parallel_loop3A_242, %parallel_loop3A_243], %parallel_loop3A_246 {strides = array<i32>} : memref<128x128xf32, #tpu.memory_space<vmem>>, vector<1x16xf32>,
      } {sc.loop_unroll_factor = 4 : i64, sc.parallel_access}
      %mul3A_113 = arith.constant 128 : i32
      %mul3A_114 = arith.muli %add3A_91, %mul3A_113 : i32
      %add3A_115 = arith.addi %mul3A_2, %mul3A_114 : i32
      %dma_start3A_116 = arith.constant 0 : i32
      %dma_start3A_117 = tpu.memref_slice %arg4[%add3A_115, %dma_start3A_116] : memref<819200x128xf32, #tpu.memory_space<hbm>> -> memref<128x128xf32, #tpu.memory_space<hbm>>
      %dma_start3A_118 = arith.constant 0 : i32
      %dma_start3A_119 = tpu.memref_slice %arg4[%add3A_115, %dma_start3A_118] : memref<819200x128xf32, #tpu.memory_space<hbm>> -> memref<128x128xf32, #tpu.memory_space<hbm>>
      tpu.enqueue_dma source(%arg8 : memref<128x128xf32, #tpu.memory_space<vmem>>) target(%dma_start3A_119 : memref<128x128xf32, #tpu.memory_space<hbm>>) target_semaphore(%arg16 : memref<!tpu.dma_semaphore, #tpu.memory_space<semaphore_mem>>)
      %add3A_120 = arith.constant 3 : i32
      %add3A_121 = arith.addi %mul3A_34, %add3A_120 : i32
      %ge3A_122 = arith.constant 2 : i32
      %ge3A_123 = arith.cmpi sge, %add3A_121, %ge3A_122 : i32
      %convert_element_type3A_124 = arith.extui %ge3A_123 : i1 to i32
      %cond3A_125 = arith.constant 0 : i32
      %cond3A_126 = arith.cmpi ne, %convert_element_type3A_124, %cond3A_125 : i32
      scf.if %cond3A_126 {
        %sub3A = arith.constant 2 : i32
        %sub3A_150 = arith.subi %add3A_121, %sub3A : i32
        %mul3A_151 = arith.constant 128 : i32
        %mul3A_152 = arith.muli %sub3A_150, %mul3A_151 : i32
        %add3A_153 = arith.addi %mul3A_2, %mul3A_152 : i32
        %dma_wait3A_154 = arith.constant 0 : i32
        %dma_wait3A_155 = tpu.memref_slice %arg4[%add3A_153, %dma_wait3A_154] : memref<819200x128xf32, #tpu.memory_space<hbm>> -> memref<128x128xf32, #tpu.memory_space<hbm>>
        %dma_wait3A_156 = arith.constant 0 : i32
        %dma_wait3A_157 = tpu.memref_slice %arg4[%add3A_153, %dma_wait3A_156] : memref<819200x128xf32, #tpu.memory_space<hbm>> -> memref<128x128xf32, #tpu.memory_space<hbm>>
        tpu.wait_dma2 semaphore(%arg15 : memref<!tpu.dma_semaphore, #tpu.memory_space<semaphore_mem>>) src(%arg7 : memref<128x128xf32, #tpu.memory_space<vmem>>) dst(%dma_wait3A_157 : memref<128x128xf32, #tpu.memory_space<hbm>>)
      } else {
      }
      %add3A_127 = arith.constant 2 : i32
      %add3A_128 = arith.addi %add3A_121, %add3A_127 : i32
      %lt3A_129 = arith.constant 200 : i32
      %lt3A_130 = arith.cmpi slt, %add3A_128, %lt3A_129 : i32
      %convert_element_type3A_131 = arith.extui %lt3A_130 : i1 to i32
      %cond3A_132 = arith.constant 0 : i32
      %cond3A_133 = arith.cmpi ne, %convert_element_type3A_131, %cond3A_132 : i32
      scf.if %cond3A_133 {
        %add3A_150 = arith.constant 2 : i32
        %add3A_151 = arith.addi %add3A_121, %add3A_150 : i32
        %dma_start3A_152 = arith.constant 0 : i32
        %dma_start3A_153 = tpu.memref_slice %arg5[%add3A_151, %dma_start3A_152] : memref<200x128xi32, #tpu.memory_space<vmem>> -> memref<1x128xi32, #tpu.memory_space<vmem>>
        %dma_start3A_154 = tpu.memref_squeeze %dma_start3A_153 : memref<1x128xi32, #tpu.memory_space<vmem>> -> memref<128xi32, #tpu.memory_space<vmem>>
        %dma_start3A_155 = arith.constant 0 : i32
        %dma_start3A_156 = arith.constant 0 : i32
        %dma_start3A_157 = tpu.memref_slice %arg3[%dma_start3A_155, %dma_start3A_156] : memref<100000x128xf32, #tpu.memory_space<hbm>> -> memref<100000x128xf32, #tpu.memory_space<hbm>>
        tpu.enqueue_indirect_dma source(%dma_start3A_157 : memref<100000x128xf32, #tpu.memory_space<hbm>>) target(%arg7 : memref<128x128xf32, #tpu.memory_space<vmem>>) offsets(%dma_start3A_154 : memref<128xi32, #tpu.memory_space<vmem>>) semaphore(%arg11 : memref<!tpu.dma_semaphore, #tpu.memory_space<semaphore_mem>>)
      } else {
      }
      %dma_wait3A_134 = arith.constant 0 : i32
      %dma_wait3A_135 = tpu.memref_slice %arg5[%add3A_121, %dma_wait3A_134] : memref<200x128xi32, #tpu.memory_space<vmem>> -> memref<1x128xi32, #tpu.memory_space<vmem>>
      %dma_wait3A_136 = tpu.memref_squeeze %dma_wait3A_135 : memref<1x128xi32, #tpu.memory_space<vmem>> -> memref<128xi32, #tpu.memory_space<vmem>>
      %dma_wait3A_137 = arith.constant 0 : i32
      %dma_wait3A_138 = arith.constant 0 : i32
      %dma_wait3A_139 = tpu.memref_slice %arg3[%dma_wait3A_137, %dma_wait3A_138] : memref<100000x128xf32, #tpu.memory_space<hbm>> -> memref<100000x128xf32, #tpu.memory_space<hbm>>
      tpu.wait_indirect_dma semaphore(%arg13 : memref<!tpu.dma_semaphore, #tpu.memory_space<semaphore_mem>>) src(%dma_wait3A_139 : memref<100000x128xf32, #tpu.memory_space<hbm>>) dst(%arg9 : memref<128x128xf32, #tpu.memory_space<vmem>>)
      %parallel_loop3A_140 = arith.constant 0 : i32
      %parallel_loop3A_141 = arith.constant 128 : i32
      %parallel_loop3A_142 = arith.constant 1 : i32
      scf.for %parallel_loop3A_150 = %parallel_loop3A_140 to %parallel_loop3A_141 step %parallel_loop3A_142  : i32 {
        %parallel_loop3A_151 = arith.index_cast %parallel_loop3A_150 : i32 to index
        %parallel_loop3A_152 = arith.constant 0 : index
        %parallel_loop3A_153 = tpu.vector_load %arg9[%parallel_loop3A_151, %parallel_loop3A_152] {strides = array<i32>} : memref<128x128xf32, #tpu.memory_space<vmem>>, vector<1x16xf32>,
        %parallel_loop3A_154 = vector.shape_cast %parallel_loop3A_153 : vector<1x16xf32> to vector<16xf32>
        %parallel_loop3A_155 = arith.constant 11.3137083 : f32
        %parallel_loop3A_156 = vector.broadcast %parallel_loop3A_155 : f32 to vector<16xf32>
        %parallel_loop3A_157 = arith.mulf %parallel_loop3A_154, %parallel_loop3A_156 : vector<16xf32>
        %parallel_loop3A_158 = arith.index_cast %parallel_loop3A_150 : i32 to index
        %parallel_loop3A_159 = arith.constant 0 : index
        %parallel_loop3A_160 = tpu.vector_load %arg9[%parallel_loop3A_158, %parallel_loop3A_159] {strides = array<i32>} : memref<128x128xf32, #tpu.memory_space<vmem>>, vector<1x16xf32>,
        %parallel_loop3A_161 = vector.shape_cast %parallel_loop3A_160 : vector<1x16xf32> to vector<16xf32>
        %parallel_loop3A_162 = vector.shape_cast %parallel_loop3A_157 : vector<16xf32> to vector<1x16xf32>
        tpu.vector_store %arg9[%parallel_loop3A_158, %parallel_loop3A_159], %parallel_loop3A_162 {strides = array<i32>} : memref<128x128xf32, #tpu.memory_space<vmem>>, vector<1x16xf32>,
        %parallel_loop3A_163 = arith.index_cast %parallel_loop3A_150 : i32 to index
        %parallel_loop3A_164 = arith.constant 16 : index
        %parallel_loop3A_165 = tpu.vector_load %arg9[%parallel_loop3A_163, %parallel_loop3A_164] {strides = array<i32>} : memref<128x128xf32, #tpu.memory_space<vmem>>, vector<1x16xf32>,
        %parallel_loop3A_166 = vector.shape_cast %parallel_loop3A_165 : vector<1x16xf32> to vector<16xf32>
        %parallel_loop3A_167 = arith.constant 11.3137083 : f32
        %parallel_loop3A_168 = vector.broadcast %parallel_loop3A_167 : f32 to vector<16xf32>
        %parallel_loop3A_169 = arith.mulf %parallel_loop3A_166, %parallel_loop3A_168 : vector<16xf32>
        %parallel_loop3A_170 = arith.index_cast %parallel_loop3A_150 : i32 to index
        %parallel_loop3A_171 = arith.constant 16 : index
        %parallel_loop3A_172 = tpu.vector_load %arg9[%parallel_loop3A_170, %parallel_loop3A_171] {strides = array<i32>} : memref<128x128xf32, #tpu.memory_space<vmem>>, vector<1x16xf32>,
        %parallel_loop3A_173 = vector.shape_cast %parallel_loop3A_172 : vector<1x16xf32> to vector<16xf32>
        %parallel_loop3A_174 = vector.shape_cast %parallel_loop3A_169 : vector<16xf32> to vector<1x16xf32>
        tpu.vector_store %arg9[%parallel_loop3A_170, %parallel_loop3A_171], %parallel_loop3A_174 {strides = array<i32>} : memref<128x128xf32, #tpu.memory_space<vmem>>, vector<1x16xf32>,
        %parallel_loop3A_175 = arith.index_cast %parallel_loop3A_150 : i32 to index
        %parallel_loop3A_176 = arith.constant 32 : index
        %parallel_loop3A_177 = tpu.vector_load %arg9[%parallel_loop3A_175, %parallel_loop3A_176] {strides = array<i32>} : memref<128x128xf32, #tpu.memory_space<vmem>>, vector<1x16xf32>,
        %parallel_loop3A_178 = vector.shape_cast %parallel_loop3A_177 : vector<1x16xf32> to vector<16xf32>
        %parallel_loop3A_179 = arith.constant 11.3137083 : f32
        %parallel_loop3A_180 = vector.broadcast %parallel_loop3A_179 : f32 to vector<16xf32>
        %parallel_loop3A_181 = arith.mulf %parallel_loop3A_178, %parallel_loop3A_180 : vector<16xf32>
        %parallel_loop3A_182 = arith.index_cast %parallel_loop3A_150 : i32 to index
        %parallel_loop3A_183 = arith.constant 32 : index
        %parallel_loop3A_184 = tpu.vector_load %arg9[%parallel_loop3A_182, %parallel_loop3A_183] {strides = array<i32>} : memref<128x128xf32, #tpu.memory_space<vmem>>, vector<1x16xf32>,
        %parallel_loop3A_185 = vector.shape_cast %parallel_loop3A_184 : vector<1x16xf32> to vector<16xf32>
        %parallel_loop3A_186 = vector.shape_cast %parallel_loop3A_181 : vector<16xf32> to vector<1x16xf32>
        tpu.vector_store %arg9[%parallel_loop3A_182, %parallel_loop3A_183], %parallel_loop3A_186 {strides = array<i32>} : memref<128x128xf32, #tpu.memory_space<vmem>>, vector<1x16xf32>,
        %parallel_loop3A_187 = arith.index_cast %parallel_loop3A_150 : i32 to index
        %parallel_loop3A_188 = arith.constant 48 : index
        %parallel_loop3A_189 = tpu.vector_load %arg9[%parallel_loop3A_187, %parallel_loop3A_188] {strides = array<i32>} : memref<128x128xf32, #tpu.memory_space<vmem>>, vector<1x16xf32>,
        %parallel_loop3A_190 = vector.shape_cast %parallel_loop3A_189 : vector<1x16xf32> to vector<16xf32>
        %parallel_loop3A_191 = arith.constant 11.3137083 : f32
        %parallel_loop3A_192 = vector.broadcast %parallel_loop3A_191 : f32 to vector<16xf32>
        %parallel_loop3A_193 = arith.mulf %parallel_loop3A_190, %parallel_loop3A_192 : vector<16xf32>
        %parallel_loop3A_194 = arith.index_cast %parallel_loop3A_150 : i32 to index
        %parallel_loop3A_195 = arith.constant 48 : index
        %parallel_loop3A_196 = tpu.vector_load %arg9[%parallel_loop3A_194, %parallel_loop3A_195] {strides = array<i32>} : memref<128x128xf32, #tpu.memory_space<vmem>>, vector<1x16xf32>,
        %parallel_loop3A_197 = vector.shape_cast %parallel_loop3A_196 : vector<1x16xf32> to vector<16xf32>
        %parallel_loop3A_198 = vector.shape_cast %parallel_loop3A_193 : vector<16xf32> to vector<1x16xf32>
        tpu.vector_store %arg9[%parallel_loop3A_194, %parallel_loop3A_195], %parallel_loop3A_198 {strides = array<i32>} : memref<128x128xf32, #tpu.memory_space<vmem>>, vector<1x16xf32>,
        %parallel_loop3A_199 = arith.index_cast %parallel_loop3A_150 : i32 to index
        %parallel_loop3A_200 = arith.constant 64 : index
        %parallel_loop3A_201 = tpu.vector_load %arg9[%parallel_loop3A_199, %parallel_loop3A_200] {strides = array<i32>} : memref<128x128xf32, #tpu.memory_space<vmem>>, vector<1x16xf32>,
        %parallel_loop3A_202 = vector.shape_cast %parallel_loop3A_201 : vector<1x16xf32> to vector<16xf32>
        %parallel_loop3A_203 = arith.constant 11.3137083 : f32
        %parallel_loop3A_204 = vector.broadcast %parallel_loop3A_203 : f32 to vector<16xf32>
        %parallel_loop3A_205 = arith.mulf %parallel_loop3A_202, %parallel_loop3A_204 : vector<16xf32>
        %parallel_loop3A_206 = arith.index_cast %parallel_loop3A_150 : i32 to index
        %parallel_loop3A_207 = arith.constant 64 : index
        %parallel_loop3A_208 = tpu.vector_load %arg9[%parallel_loop3A_206, %parallel_loop3A_207] {strides = array<i32>} : memref<128x128xf32, #tpu.memory_space<vmem>>, vector<1x16xf32>,
        %parallel_loop3A_209 = vector.shape_cast %parallel_loop3A_208 : vector<1x16xf32> to vector<16xf32>
        %parallel_loop3A_210 = vector.shape_cast %parallel_loop3A_205 : vector<16xf32> to vector<1x16xf32>
        tpu.vector_store %arg9[%parallel_loop3A_206, %parallel_loop3A_207], %parallel_loop3A_210 {strides = array<i32>} : memref<128x128xf32, #tpu.memory_space<vmem>>, vector<1x16xf32>,
        %parallel_loop3A_211 = arith.index_cast %parallel_loop3A_150 : i32 to index
        %parallel_loop3A_212 = arith.constant 80 : index
        %parallel_loop3A_213 = tpu.vector_load %arg9[%parallel_loop3A_211, %parallel_loop3A_212] {strides = array<i32>} : memref<128x128xf32, #tpu.memory_space<vmem>>, vector<1x16xf32>,
        %parallel_loop3A_214 = vector.shape_cast %parallel_loop3A_213 : vector<1x16xf32> to vector<16xf32>
        %parallel_loop3A_215 = arith.constant 11.3137083 : f32
        %parallel_loop3A_216 = vector.broadcast %parallel_loop3A_215 : f32 to vector<16xf32>
        %parallel_loop3A_217 = arith.mulf %parallel_loop3A_214, %parallel_loop3A_216 : vector<16xf32>
        %parallel_loop3A_218 = arith.index_cast %parallel_loop3A_150 : i32 to index
        %parallel_loop3A_219 = arith.constant 80 : index
        %parallel_loop3A_220 = tpu.vector_load %arg9[%parallel_loop3A_218, %parallel_loop3A_219] {strides = array<i32>} : memref<128x128xf32, #tpu.memory_space<vmem>>, vector<1x16xf32>,
        %parallel_loop3A_221 = vector.shape_cast %parallel_loop3A_220 : vector<1x16xf32> to vector<16xf32>
        %parallel_loop3A_222 = vector.shape_cast %parallel_loop3A_217 : vector<16xf32> to vector<1x16xf32>
        tpu.vector_store %arg9[%parallel_loop3A_218, %parallel_loop3A_219], %parallel_loop3A_222 {strides = array<i32>} : memref<128x128xf32, #tpu.memory_space<vmem>>, vector<1x16xf32>,
        %parallel_loop3A_223 = arith.index_cast %parallel_loop3A_150 : i32 to index
        %parallel_loop3A_224 = arith.constant 96 : index
        %parallel_loop3A_225 = tpu.vector_load %arg9[%parallel_loop3A_223, %parallel_loop3A_224] {strides = array<i32>} : memref<128x128xf32, #tpu.memory_space<vmem>>, vector<1x16xf32>,
        %parallel_loop3A_226 = vector.shape_cast %parallel_loop3A_225 : vector<1x16xf32> to vector<16xf32>
        %parallel_loop3A_227 = arith.constant 11.3137083 : f32
        %parallel_loop3A_228 = vector.broadcast %parallel_loop3A_227 : f32 to vector<16xf32>
        %parallel_loop3A_229 = arith.mulf %parallel_loop3A_226, %parallel_loop3A_228 : vector<16xf32>
        %parallel_loop3A_230 = arith.index_cast %parallel_loop3A_150 : i32 to index
        %parallel_loop3A_231 = arith.constant 96 : index
        %parallel_loop3A_232 = tpu.vector_load %arg9[%parallel_loop3A_230, %parallel_loop3A_231] {strides = array<i32>} : memref<128x128xf32, #tpu.memory_space<vmem>>, vector<1x16xf32>,
        %parallel_loop3A_233 = vector.shape_cast %parallel_loop3A_232 : vector<1x16xf32> to vector<16xf32>
        %parallel_loop3A_234 = vector.shape_cast %parallel_loop3A_229 : vector<16xf32> to vector<1x16xf32>
        tpu.vector_store %arg9[%parallel_loop3A_230, %parallel_loop3A_231], %parallel_loop3A_234 {strides = array<i32>} : memref<128x128xf32, #tpu.memory_space<vmem>>, vector<1x16xf32>,
        %parallel_loop3A_235 = arith.index_cast %parallel_loop3A_150 : i32 to index
        %parallel_loop3A_236 = arith.constant 112 : index
        %parallel_loop3A_237 = tpu.vector_load %arg9[%parallel_loop3A_235, %parallel_loop3A_236] {strides = array<i32>} : memref<128x128xf32, #tpu.memory_space<vmem>>, vector<1x16xf32>,
        %parallel_loop3A_238 = vector.shape_cast %parallel_loop3A_237 : vector<1x16xf32> to vector<16xf32>
        %parallel_loop3A_239 = arith.constant 11.3137083 : f32
        %parallel_loop3A_240 = vector.broadcast %parallel_loop3A_239 : f32 to vector<16xf32>
        %parallel_loop3A_241 = arith.mulf %parallel_loop3A_238, %parallel_loop3A_240 : vector<16xf32>
        %parallel_loop3A_242 = arith.index_cast %parallel_loop3A_150 : i32 to index
        %parallel_loop3A_243 = arith.constant 112 : index
        %parallel_loop3A_244 = tpu.vector_load %arg9[%parallel_loop3A_242, %parallel_loop3A_243] {strides = array<i32>} : memref<128x128xf32, #tpu.memory_space<vmem>>, vector<1x16xf32>,
        %parallel_loop3A_245 = vector.shape_cast %parallel_loop3A_244 : vector<1x16xf32> to vector<16xf32>
        %parallel_loop3A_246 = vector.shape_cast %parallel_loop3A_241 : vector<16xf32> to vector<1x16xf32>
        tpu.vector_store %arg9[%parallel_loop3A_242, %parallel_loop3A_243], %parallel_loop3A_246 {strides = array<i32>} : memref<128x128xf32, #tpu.memory_space<vmem>>, vector<1x16xf32>,
      } {sc.loop_unroll_factor = 4 : i64, sc.parallel_access}
      %mul3A_143 = arith.constant 128 : i32
      %mul3A_144 = arith.muli %add3A_121, %mul3A_143 : i32
      %add3A_145 = arith.addi %mul3A_2, %mul3A_144 : i32
      %dma_start3A_146 = arith.constant 0 : i32
      %dma_start3A_147 = tpu.memref_slice %arg4[%add3A_145, %dma_start3A_146] : memref<819200x128xf32, #tpu.memory_space<hbm>> -> memref<128x128xf32, #tpu.memory_space<hbm>>
      %dma_start3A_148 = arith.constant 0 : i32
      %dma_start3A_149 = tpu.memref_slice %arg4[%add3A_145, %dma_start3A_148] : memref<819200x128xf32, #tpu.memory_space<hbm>> -> memref<128x128xf32, #tpu.memory_space<hbm>>
      tpu.enqueue_dma source(%arg9 : memref<128x128xf32, #tpu.memory_space<vmem>>) target(%dma_start3A_149 : memref<128x128xf32, #tpu.memory_space<hbm>>) target_semaphore(%arg17 : memref<!tpu.dma_semaphore, #tpu.memory_space<semaphore_mem>>)
    }
    %scan3A_20 = arith.constant 50 : i32
    %add3A_21 = arith.constant 25344 : i32
    %add3A_22 = arith.addi %mul3A_2, %add3A_21 : i32
    %dma_wait3A = arith.constant 0 : i32
    %dma_wait3A_23 = tpu.memref_slice %arg4[%add3A_22, %dma_wait3A] : memref<819200x128xf32, #tpu.memory_space<hbm>> -> memref<128x128xf32, #tpu.memory_space<hbm>>
    %dma_wait3A_24 = arith.constant 0 : i32
    %dma_wait3A_25 = tpu.memref_slice %arg4[%add3A_22, %dma_wait3A_24] : memref<819200x128xf32, #tpu.memory_space<hbm>> -> memref<128x128xf32, #tpu.memory_space<hbm>>
    tpu.wait_dma2 semaphore(%arg16 : memref<!tpu.dma_semaphore, #tpu.memory_space<semaphore_mem>>) src(%arg8 : memref<128x128xf32, #tpu.memory_space<vmem>>) dst(%dma_wait3A_25 : memref<128x128xf32, #tpu.memory_space<hbm>>)
    %add3A_26 = arith.constant 25472 : i32
    %add3A_27 = arith.addi %mul3A_2, %add3A_26 : i32
    %dma_wait3A_28 = arith.constant 0 : i32
    %dma_wait3A_29 = tpu.memref_slice %arg4[%add3A_27, %dma_wait3A_28] : memref<819200x128xf32, #tpu.memory_space<hbm>> -> memref<128x128xf32, #tpu.memory_space<hbm>>
    %dma_wait3A_30 = arith.constant 0 : i32
    %dma_wait3A_31 = tpu.memref_slice %arg4[%add3A_27, %dma_wait3A_30] : memref<819200x128xf32, #tpu.memory_space<hbm>> -> memref<128x128xf32, #tpu.memory_space<hbm>>
    tpu.wait_dma2 semaphore(%arg17 : memref<!tpu.dma_semaphore, #tpu.memory_space<semaphore_mem>>) src(%arg9 : memref<128x128xf32, #tpu.memory_space<vmem>>) dst(%dma_wait3A_31 : memref<128x128xf32, #tpu.memory_space<hbm>>)
    return
  }
}

</mosaic_0001>

<sc_bundles>
// kernel: kernel.3.cloned.1.call-start
scs
__scs_entry_jumppad:
0x0: {  	(pc) =	sbr.rel $0x88, $3  }
0x1: {  	(tag) =	ssettag $0x0;
	lr =	simm.s32 $0x1  }
0x2: {  	[smem:$0x3F9F] =	sst lr;
	_ =	strace $0xD0000000  }
0x3: {  	_ = 	snop  }
0x4: {  	_ = 	snop  }
0x5: {  	_ = 	snop  }
0x6: {  	_ = 	snop  }
0x7: {  	_ = 	snop  }
__scs_overlays_trampoline_lowered:
0x8: {  	[smem:$0x3FAE] =	sst s0  }
0x9: {  	[smem:$0x3FAF] =	sst s1  }
0xa: {  	[smem:$0x3FB0] =	sst s2  }
0xb: {  	[smem:$0x3FB1] =	sst s3  }
0xc: {  	[smem:$0x3FB2] =	sst s4  }
0xd: {  	[smem:$0x3FB3] =	sst s5  }
0xe: {  	[smem:$0x3FB4] =	sst s6  }
0xf: {  	[smem:$0x3FB5] =	sst s7  }
0x10: {  	[smem:$0x3FB6] =	sst s8  }
0x11: {  	[smem:$0x3FB7] =	sst s9;
	s0 =	simm.s32 @!p0 $0x0  }
0x12: {  	s1 =	sld [smem:$0x3F9D];
	s0 =	simm.s32 @p0 $0x1  }
0x13: {  	[smem:$0x3FB8] =	sst s0;
	s0 =	simm.s32 @!p1 $0x0  }
0x14: {  	s2 =	sld [smem:$0x3F9C];
	s0 =	simm.s32 @p1 $0x1  }
0x15: {  	[smem:$0x3FB9] =	sst s0;
	s0 =	simm.s32 @!p2 $0x0  }
0x16: {  	s3 =	sld [smem:$0x3FDB];
	s0 =	simm.s32 @p2 $0x1  }
0x17: {  	s4 =	simm.s32 $0x1BF5;
	[smem:$0x3FBB] =	sst s0  }
0x18: {  	s0 =	sld [smem:$0x3F9E];
	_ =	swait.ge [sflag:s4], $0x0  }
0x19: {  	s7 =	sld [smem:$0x3F9F]  }
0x1a: {  	s8 =	sadd.s32 $0xFFFFE003, lr  }
0x1b: {  	s9 =	sadd.s32 $0xFFFFFEF7, lr;
	s5 =	simm.s32 $0xFFFFFFFF;
	p2 =	slt.u32 s8, $0xFFFFF086  }
0x1c: {  	p1 =	slt.u32 s9, $0xF7A;
	s5 =	simm.s32 @!p2 $0x0  }
0x1d: {  	s5 =	simm.s32 @p1 $0x1;
	p0 =	seq.s32 s7, s2  }
0x1e: {  	s7 =	smul.u32 @!p0 $0xF7A, s2;
	p2 =	seq.s32 @!p0 s5, $0x0  }
0x1f: {  	s9 =	smul.u32 $0xF7A, s1;
	s8 =	simm.s32 @!p0 $0x1BF5;
	p2 =	por !p2, p0  }
0x20: {  	[sflag:s8] =	ssyncset.s32 @!p0 $0xFFFFF086;
	s6 =	sadd.s32 @!p0 s3, s7;
	s7 =	simm.s32 @!p0 $0x108  }
0x21: {  	s3 =	sadd.s32 s3, s9;
	s6 =	sadd.s32 @!p0 $0x88, s6;
	s7 =	simm.s32 @p2 $0x1082  }
0x22: {  	[simem:s7], [sflag:s8] =	dma.local @!p0 [hbm:s6], $0xF7A  }
0x23: {  	s9 =	sor.u32 $0xD0000000, s2;
	s6 =	simm.s32 $0x108;
	_ =	swait.ge @!p0 [sflag:s8], $0x0  }
0x24: {  	s3 =	sadd.s32 $0x88, s3;
	s6 =	simm.s32 @!p1 $0x1082;
	[sflag:s4] =	ssyncset.s32 $0xFFFFF086  }
0x25: {  	[simem:s6], [sflag:s4] =	dma.local [hbm:s3], $0xF7A  }
0x26: {  	[smem:$0x3F9F] =	sst s1;
	(tag) =	ssettag s2;
	_ =	strace s9  }
0x27: {  	s1 =	sld [smem:$0x3FAF]  }
0x28: {  	s2 =	sld [smem:$0x3FB0]  }
0x29: {  	s4 =	sld [smem:$0x3FB2]  }
0x2a: {  	p0 =	seq.s32 s5, $0x0;
	s5 =	sld [smem:$0x3FB3]  }
0x2b: {  	s6 =	sld [smem:$0x3FB4]  }
0x2c: {  	s7 =	sld [smem:$0x3FB5]  }
0x2d: {  	s3 =	simm.s32 $0x108;
	s8 =	sld [smem:$0x3FB6]  }
0x2e: {  	s3 =	simm.s32 @!p0 $0x1082;
	s9 =	sld [smem:$0x3FB7]  }
0x2f: {  	lr =	sadd.s32 s0, s3;
	s0 =	sld [smem:$0x3FAE]  }
0x30: {  	s3 =	sld [smem:$0x3FB1]  }
0x31: {  	[smem:$0x3FBA] =	sst s10  }
0x32: {  	s10 =	sld [smem:$0x3FB8];
	_ =	sdelay $0x3  }
0x33: {  	p0 =	seq.s32 s10, $0x1;
	s10 =	sld [smem:$0x3FBA];
	_ =	sdelay $0x3  }
0x34: {  	[smem:$0x3FBA] =	sst s10  }
0x35: {  	s10 =	sld [smem:$0x3FB9];
	_ =	sdelay $0x3  }
0x36: {  	p1 =	seq.s32 s10, $0x1;
	s10 =	sld [smem:$0x3FBA];
	_ =	sdelay $0x3  }
0x37: {  	[smem:$0x3FBA] =	sst s10  }
0x38: {  	s10 =	sld [smem:$0x3FBB]  }
0x39: {  	_ = 	snop;
	(pc) =	sbr.ind lr, $3  }
0x3a: {  	_ = 	snop  }
0x3b: {  	_ = 	snop  }
0x3c: {  	p2 =	seq.s32 s10, $0x1;
	s10 =	sld [smem:$0x3FBA]  }
0x3d: {  	_ =	shalt  }
0x3e: {  	_ =	shalt  }
0x3f: {  	_ =	shalt  }
0x40: {  	_ =	shalt  }
0x41: {  	_ =	shalt  }
0x42: {  	_ =	shalt  }
0x43: {  	_ =	shalt  }
0x44: {  	_ =	shalt  }
0x45: {  	_ =	shalt  }
0x46: {  	_ =	shalt  }
0x47: {  	_ =	shalt  }
0x48: {  	_ =	shalt  }
0x49: {  	_ =	shalt  }
0x4a: {  	_ =	shalt  }
0x4b: {  	_ =	shalt  }
0x4c: {  	_ =	shalt  }
0x4d: {  	_ =	shalt  }
0x4e: {  	_ =	shalt  }
0x4f: {  	_ =	shalt  }
0x50: {  	_ =	shalt  }
0x51: {  	_ =	shalt  }
0x52: {  	_ =	shalt  }
0x53: {  	_ =	shalt  }
0x54: {  	_ =	shalt  }
0x55: {  	_ =	shalt  }
0x56: {  	_ =	shalt  }
0x57: {  	_ =	shalt  }
0x58: {  	_ =	shalt  }
0x59: {  	_ =	shalt  }
0x5a: {  	_ =	shalt  }
0x5b: {  	_ =	shalt  }
0x5c: {  	_ =	shalt  }
0x5d: {  	_ =	shalt  }
0x5e: {  	_ =	shalt  }
0x5f: {  	_ =	shalt  }
0x60: {  	_ =	shalt  }
0x61: {  	_ =	shalt  }
0x62: {  	_ =	shalt  }
0x63: {  	_ =	shalt  }
0x64: {  	_ =	shalt  }
0x65: {  	_ =	shalt  }
0x66: {  	_ =	shalt  }
0x67: {  	_ =	shalt  }
0x68: {  	_ =	shalt  }
0x69: {  	_ =	shalt  }
0x6a: {  	_ =	shalt  }
0x6b: {  	_ =	shalt  }
0x6c: {  	_ =	shalt  }
0x6d: {  	_ =	shalt  }
0x6e: {  	_ =	shalt  }
0x6f: {  	_ =	shalt  }
0x70: {  	_ =	shalt  }
0x71: {  	_ =	shalt  }
0x72: {  	_ =	shalt  }
0x73: {  	_ =	shalt  }
0x74: {  	_ =	shalt  }
0x75: {  	_ =	shalt  }
0x76: {  	_ =	shalt  }
0x77: {  	_ =	shalt  }
0x78: {  	_ =	shalt  }
0x79: {  	_ =	shalt  }
0x7a: {  	_ =	shalt  }
0x7b: {  	_ =	shalt  }
0x7c: {  	_ =	shalt  }
0x7d: {  	_ =	shalt  }
0x7e: {  	_ =	shalt  }
0x7f: {  	_ =	shalt  }
0x80: {  	_ =	shalt  }
0x81: {  	_ =	shalt  }
0x82: {  	_ =	shalt  }
0x83: {  	_ =	shalt  }
0x84: {  	_ =	shalt  }
0x85: {  	_ =	shalt  }
0x86: {  	_ =	shalt  }
0x87: {  	_ =	shalt  }
.Lfunc_end0:
.L_simem_size_0:
called_computation_lowered:
.L_overlay_start_0:
0x88: {  	s2 =	sld [smem:$0x3FD9]  }
0x89: {  	s3 =	sld [smem:$0x3FFE];
	_ =	sdelay $0x1  }
0x8a: {  	s1 =	srdreg.scid  }
0x8b: {  	s0 =	sand.u32 $0x1, s1  }
0x8c: {  	s17 =	sshll.u32 s0, $0xA;
	s2 =	sadd.s32 s3, s2  }
0x8d: {  	s2 =	sadd.s32 s2, s17  }
0x8e: {  	[smem:$0x3FC6] =	sst s2  }
0x8f: {  	_ = 	snop  }
0x90: {  	s2 =	sld [smem:$0x3FC8]  }
0x91: {  	s18 =	sld [smem:$0x3FD0];
	(tm) =	ssettm $0x1  }
0x92: {  	s4 =	sld [smem:$0x3FFB];
	_ =	sdelay $0x3  }
0x93: {  	_ =	strace s4  }
0x94: {  	s4 =	sld [smem:$0x3FFC];
	_ =	sdelay $0x3  }
0x95: {  	_ =	strace s4  }
0x96: {  	s4 =	sld [smem:$0x3FFD];
	_ =	sdelay $0x3  }
0x97: {  	_ =	strace s4  }
0x98: {  	_ =	strace $0x8FFFFFFF  }
0x99: {  	s19 =	sld [smem:$0x3FDB];
	_ =	sdelay $0x1  }
0x9a: {  	s5 =	simm.s32 $_scs_section_size  }
0x9b: {  	s6 =	simm.s32 $_size__tile_overlayer_lowered;
	s7 =	simm.s32 $_tile_overlayer_lowered  }
0x9c: {  	s22 =	simm.s32 $0x1BFF;
	s21 =	sshll.u32 s7, $0x1;
	s4 =	sadd.s32 s5, s19  }
0x9d: {  	s8 =	simm.s32 $0x0;
	s20 =	sshll.u32 s6, $0x1;
	s6 =	sadd.s32 s21, s4  }
0x9e: {  	[timem:s8], [sflag:s22] =	dma.local [hbm:s6], s20  }
0x9f: {  	_ =	swait.ge [sflag:s22], s20  }
0xa0: {  	s5 =	ssub.s32 $0x0, s20;
	[sflag:s22] =	ssyncset.done $0x0  }
0xa1: {  	[sflag:s22] =	ssyncadd.s32 s5;
	_ =	sdelay $0x1  }
0xa2: {  	s23 =	simm.s32 $0x1B8B  }
0xa3: {  	_ =	swait.ge [sflag:s23], $0x1  }
0xa4: {  	[sflag:s23] =	ssyncset.done $0x0  }
0xa5: {  	s25 =	simm.s32 $0x1B8E;
	s24 =	sld [smem:$0x3FFE];
	[sflag:s23] =	ssyncadd.s32 $0xFFFFFFFF  }
0xa6: {  	s26 =	simm.s32 $execute0_lowered;
	[smem:$0x3FD2] =	sst s25  }
0xa7: {  	s6 =	sshll.u32 s26, $0x1;
	_ =	strace $0x80000046;
	[dreg:$0x1] =	wrdreg $0xFFFFFFFF  }
0xa8: {  	s28 =	simm.s32 $_size_execute0_lowered;
	s4 =	sadd.s32 s4, s6;
	[dreg:$0x0] =	wrdreg $0x0  }
0xa9: {  	s6 =	sshll.u32 s28, $0x1;
	[dreg:$0x2] =	wrdreg s4  }
0xaa: {  	[dreg:$0x3] =	wrdreg s6  }
0xab: {  	[dreg:$0x4] =	wrdreg $0xC0  }
0xac: {  	_ =	task [dreg:s8], $0x5FFFF  }
0xad: {  	[dreg:$0x1] =	wrdreg $0xFFFFFFFF  }
0xae: {  	[dreg:$0x0] =	wrdreg $0x60  }
0xaf: {  	[dreg:$0x2] =	wrdreg s24  }
0xb0: {  	[dreg:$0x3] =	wrdreg s2  }
0xb1: {  	[dreg:$0x4] =	wrdreg s18  }
0xb2: {  	[dreg:$0x5] =	wrdreg $0x9  }
0xb3: {  	_ =	task.clear_ibuf [dreg:s8], $0x6FFFF;
	_ =	strace $0x90000046  }
0xb4: {  	s29 =	simm.s32 $0x9;
	_ =	strace $0x80000048  }
0xb5: {  	_ =	swait.ge [sflag:s29], $0x1  }
0xb6: {  	[sflag:s29] =	ssyncadd.s32 $0xFFFFFFFF  }
0xb7: {  	_ =	strace $0x90000048  }
0xb8: {  	_ =	sfence  }
0xb9: {  	s30 =	sld [smem:$0x0];
	_ =	sdelay $0x2  }
0xba: {  	s31 =	sshll.u32 s1, $0xD;
	s1 =	sshrl.u32 s1, $0x2  }
0xbb: {  	s3 =	sand.u32 $0x4000, s31;
	s1 =	sadd.s32 s1, s30  }
0xbc: {  	s0 =	sor.u32 s3, s0;
	s1 =	sshll.u32 s1, $0x11  }
0xbd: {  	s0 =	sor.u32 s1, s0  }
0xbe: {  	s0 =	sadd.s32 $0x8F2B, s0  }
0xbf: {  	[sflag:s0] =	ssyncadd.remote.s32 $0x1  }
0xc0: {  	_ =	sfence.sel $0xFFFF  }
0xc1: {  	[dreg:$0x0] =	wrdreg $0xFFFFFFFF;
	(pc) =	sbr.abs _section_cstart, $3  }
0xc2: {  	[dreg:$0x1] =	wrdreg $0xFFFFFFFF  }
0xc3: {  	_ =	task.clear_ibuf [dreg:s8], $0x2FFFF;
	_ =	strace $0x9FFFFFFF  }
0xc4: {  	(tm) =	ssettm $0x7FFFFFFF  }
0xc5: {  	_ =	shalt  }
tec
execute0_lowered:
.L_overlay_start_1:
0x0: {  	(tag) =	ssettag $0x1  }
0x1: {  	s5 =	rddreg [dreg:$0x0]  }
0x2: {  	s1 =	srdreg.scid;
	s2 =	rddreg [dreg:$0x1]  }
0x3: {  	s0 =	stileid.u32;
	s3 =	rddreg [dreg:$0x2]  }
0x4: {  	s4 =	simm.s32 $0x0;
	s10 =	simm.s32 $0x80;
	s11 =	simm.s32 $0x6400  }
0x5: {  	s12 =	simm.s32 $0xA400;
	s13 =	simm.s32 $0xE400;
	s14 =	simm.s32 $0x1  }
0x6: {  	s15 =	simm.s32 $0x12400;
	s16 =	simm.s32 $0x2;
	s17 =	simm.s32 $0x5  }
0x7: {  	s18 =	simm.s32 $0x3;
	s19 =	simm.s32 $0x6;
	s20 =	simm.s32 $0x4  }
0x8: {  	s21 =	simm.s32 $0x7;
	s6 =	sand.u32 $0x1, s1;
	s30 =	sshll.u32 s0, $0x1  }
0x9: {  	s22 =	simm.s32 $0x8;
	s23 =	simm.s32 $0x0;
	s7 =	sor.u32 s6, s30  }
0xa: {  	s1 =	rddreg [dreg:$0x3];
	s6 =	ssub.s32 $0x2, s6;
	s8 =	smul.u32 $0xC80, s7  }
0xb: {  	[smem:$0x7FF] =	sst s4;
	s9 =	smul.u32 $0x64000, s7;
	s31 =	sshrl.u32 s6, $0x1  }
0xc: {  	_ =	strace $0x80000047;
	s5 =	sadd.s32 s8, s5;
	s8 =	ssub.s32 s6, s31  }
0xd: {  	s9 =	sadd.s32 s9, s3;
	s6 =	smul.u32 $0x320000, s7;
	s5 =	sadd.s32 $0x400, s5  }
0xe: {  	s7 =	smax.u32 s8, $0x1;
	s8 =	sadd.s32 $0x800, s9;
	s9 =	simm.s32 $0x9  }
.LBB2_1:
0xf: {  	[tilespmem:s4], [sflag:$0x9] =	stream.linear.gather [hbm4b:s5+s4], $0x6400, $0x38;
	[tilespmem:$0x16400] =	vst v63  }
0x10: {  	_ =	swait.ge [sflag:s9], $0x6400  }
0x11: {  	[sflag:s9] =	ssyncset.done $0x0  }
0x12: {  	[sflag:s9] =	ssyncadd.s32 $0xFFFF9C00  }
0x13: {  	[tilespmem:s11], [sflag:$0x1] =	stream.indirect.gather [hbm4b:s2+s10], $0x80, s4, s10, $0xb8;
	[tilespmem:$0x16400] =	vst v63  }
0x14: {  	s24 =	simm.s32 $0x0  }
0x15: {  	[tilespmem:s12], [sflag:$0x2] =	stream.indirect.gather [hbm4b:s2+s10], $0x80, s10, s10, $0xb8;
	[tilespmem:$0x16400] =	vst v63  }
.LBB2_2:
0x16: {  	p0 =	seq.s32 s24, $0x0  }
0x17: {  	s26 =	sshll.u32 s24, $0x2;
	s28 =	simm.s32 @!p0 $0x7  }
0x18: {  	s25 =	sor.u32 $0x2, s26;
	_ =	swait.ge @!p0 [sflag:s28], $0x4000  }
0x19: {  	s29 =	sshll.u32 s25, $0x7;
	[sflag:s28] =	ssyncset.done @!p0 $0x0  }
0x1a: {  	[sflag:s28] =	ssyncadd.s32 @!p0 $0xFFFFC000;
	s28 =	sand.u32 $0x3FFFFF80, s29  }
0x1b: {  	[tilespmem:s13], [sflag:$0x3] =	stream.indirect.gather [hbm4b:s2+s10], $0x80, s28, s10, $0xb8;
	[tilespmem:$0x16400] =	vst v63  }
0x1c: {  	_ =	swait.ge [sflag:s14], $0x4000  }
0x1d: {  	[sflag:s14] =	ssyncset.done $0x0  }
0x1e: {  	s28 =	simm.s32 $0x6500;
	[sflag:s14] =	ssyncadd.s32 $0xFFFFC000  }
0x1f: {  	v0 =	vld [tilespmem:s28+$0xF0]  }
0x20: {  	v1 =	vld [tilespmem:s28+$0xFFFFFF10]  }
0x21: {  	v2 =	vld [tilespmem:s28+$0xFFFFFF20]  }
0x22: {  	v3 =	vld [tilespmem:s28+$0xFFFFFF30]  }
0x23: {  	v6 =	vld [tilespmem:s28+$0xFFFFFF60]  }
0x24: {  	v4 =	vld [tilespmem:s28+$0xFFFFFF40]  }
0x25: {  	v5 =	vld [tilespmem:s28+$0xFFFFFF50];
	v0 =	vmul.f32 $1.131370830e+01, v0  }
0x26: {  	v8 =	vld [tilespmem:s28+$0xFFFFFF80];
	v1 =	vmul.f32 $1.131370830e+01, v1  }
0x27: {  	v7 =	vld [tilespmem:s28+$0xFFFFFF70];
	v2 =	vmul.f32 $1.131370830e+01, v2;
	[tilespmem:s28+$0xF0] =	vst v0  }
0x28: {  	v6 =	vmul.f32 $1.131370830e+01, v6;
	v0 =	vld [tilespmem:s28+$0xFFFFFF90];
	[tilespmem:s28+$0xFFFFFF10] =	vst v1  }
0x29: {  	v1 =	vmul.f32 $1.131370830e+01, v3;
	v3 =	vld [tilespmem:s28+$0xFFFFFFA0];
	[tilespmem:s28+$0xFFFFFF20] =	vst v2;
	v2 =	vmul.f32 $1.131370830e+01, v4  }
0x2a: {  	[tilespmem:s28+$0xFFFFFF60] =	vst v6;
	v6 =	vld [tilespmem:s28+$0xFFFFFFF0]  }
0x2b: {  	v4 =	vld [tilespmem:s28+$0xFFFFFFB0];
	[tilespmem:s28+$0xFFFFFF40] =	vst v2;
	v2 =	vmul.f32 $1.131370830e+01, v8  }
0x2c: {  	[tilespmem:s28+$0xFFFFFF30] =	vst v1;
	v1 =	vmul.f32 $1.131370830e+01, v5;
	v5 =	vld [tilespmem:s28+$0xFFFFFFC0]  }
0x2d: {  	v8 =	vld [tilespmem:s28+$0xFFFFFFD0];
	[tilespmem:s28+$0xFFFFFF80] =	vst v2;
	v2 =	vmul.f32 $1.131370830e+01, v7  }
0x2e: {  	[tilespmem:s28+$0xFFFFFF50] =	vst v1;
	v1 =	vld [tilespmem:s28+$0xFFFFFFE0];
	v0 =	vmul.f32 $1.131370830e+01, v0  }
0x2f: {  	v7 =	vld [tilespmem:s28+$0x30];
	v6 =	vmul.f32 $1.131370830e+01, v6;
	[tilespmem:s28+$0xFFFFFF70] =	vst v2  }
0x30: {  	v2 =	vmul.f32 $1.131370830e+01, v3;
	v3 =	vld [tilespmem:s28+$0x0];
	[tilespmem:s28+$0xFFFFFF90] =	vst v0  }
0x31: {  	v0 =	vmul.f32 $1.131370830e+01, v4;
	v4 =	vld [tilespmem:s28+$0x10];
	[tilespmem:s28+$0xFFFFFFF0] =	vst v6  }
0x32: {  	[tilespmem:s28+$0xFFFFFFA0] =	vst v2;
	v2 =	vmul.f32 $1.131370830e+01, v5;
	v5 =	vld [tilespmem:s28+$0x20]  }
0x33: {  	v6 =	vld [tilespmem:s28+$0x80];
	[tilespmem:s28+$0xFFFFFFB0] =	vst v0;
	v0 =	vmul.f32 $1.131370830e+01, v8  }
0x34: {  	v1 =	vmul.f32 $1.131370830e+01, v1;
	[tilespmem:s28+$0xFFFFFFC0] =	vst v2;
	v2 =	vld [tilespmem:s28+$0x40]  }
0x35: {  	[tilespmem:s28+$0xFFFFFFD0] =	vst v0;
	v0 =	vmul.f32 $1.131370830e+01, v3  }
0x36: {  	v3 =	vld [tilespmem:s28+$0x50];
	[tilespmem:s28+$0xFFFFFFE0] =	vst v1;
	v4 =	vmul.f32 $1.131370830e+01, v4  }
0x37: {  	v1 =	vld [tilespmem:s28+$0x60];
	[tilespmem:s28+$0x0] =	vst v0;
	v0 =	vmul.f32 $1.131370830e+01, v5  }
0x38: {  	v6 =	vmul.f32 $1.131370830e+01, v6;
	v5 =	vld [tilespmem:s28+$0x70];
	[tilespmem:s28+$0x10] =	vst v4  }
0x39: {  	v4 =	vmul.f32 $1.131370830e+01, v7;
	v7 =	vld [tilespmem:s28+$0x90];
	[tilespmem:s28+$0x20] =	vst v0;
	v0 =	vmul.f32 $1.131370830e+01, v2  }
0x3a: {  	v8 =	vld [tilespmem:s28+$0xA0];
	[tilespmem:s28+$0x80] =	vst v6  }
0x3b: {  	v2 =	vmul.f32 $1.131370830e+01, v3;
	[tilespmem:s28+$0x40] =	vst v0;
	v0 =	vld [tilespmem:s28+$0xB0]  }
0x3c: {  	[tilespmem:s28+$0x30] =	vst v4;
	v3 =	vmul.f32 $1.131370830e+01, v1;
	v1 =	vld [tilespmem:s28+$0xC0]  }
0x3d: {  	[tilespmem:s28+$0x50] =	vst v2;
	v4 =	vmul.f32 $1.131370830e+01, v5;
	v2 =	vld [tilespmem:s28+$0xD0]  }
0x3e: {  	[tilespmem:s28+$0x60] =	vst v3;
	v3 =	vld [tilespmem:s28+$0xE0];
	v5 =	vmul.f32 $1.131370830e+01, v7  }
0x3f: {  	s30 =	simm.s32 $0x6700;
	s29 =	simm.s32 $0x0;
	v6 =	vmul.f32 $1.131370830e+01, v8;
	[tilespmem:s28+$0x70] =	vst v4;
	v4 =	vld [tilespmem:s28+$0xFFFFFF00]  }
.LBB2_3:
0x40: {  	v7 =	vld [tilespmem:s30+$0xF0];
	s29 =	sadd.s32 $0x4, s29;
	[tilespmem:s28+$0x90] =	vst v5;
	v0 =	vmul.f32 $1.131370830e+01, v0  }
0x41: {  	v5 =	vld [tilespmem:s30+$0xFFFFFF10];
	p1 =	slt.u32 s29, $0x7C;
	[tilespmem:s28+$0xA0] =	vst v6;
	v1 =	vmul.f32 $1.131370830e+01, v1  }
0x42: {  	v6 =	vld [tilespmem:s30+$0xFFFFFF20];
	[tilespmem:s28+$0xB0] =	vst v0;
	v0 =	vmul.f32 $1.131370830e+01, v2  }
0x43: {  	v2 =	vld [tilespmem:s30+$0xFFFFFF30];
	[tilespmem:s28+$0xC0] =	vst v1;
	v1 =	vmul.f32 $1.131370830e+01, v3  }
0x44: {  	v3 =	vld [tilespmem:s30+$0xFFFFFF40];
	v4 =	vmul.f32 $1.131370830e+01, v4;
	[tilespmem:s28+$0xD0] =	vst v0  }
0x45: {  	v0 =	vld [tilespmem:s30+$0xFFFFFF50];
	v7 =	vmul.f32 $1.131370830e+01, v7;
	[tilespmem:s28+$0xE0] =	vst v1  }
0x46: {  	v1 =	vmul.f32 $1.131370830e+01, v5;
	v5 =	vld [tilespmem:s30+$0xFFFFFF60];
	[tilespmem:s28+$0xFFFFFF00] =	vst v4;
	s28 =	smov.u32 s30  }
0x47: {  	v4 =	vmul.f32 $1.131370830e+01, v6;
	v6 =	vld [tilespmem:s30+$0xFFFFFF70];
	[tilespmem:s30+$0xF0] =	vst v7  }
0x48: {  	[tilespmem:s30+$0xFFFFFF10] =	vst v1;
	v1 =	vmul.f32 $1.131370830e+01, v2;
	v2 =	vld [tilespmem:s30+$0xFFFFFF80]  }
0x49: {  	[tilespmem:s30+$0xFFFFFF20] =	vst v4;
	v3 =	vmul.f32 $1.131370830e+01, v3;
	v4 =	vld [tilespmem:s30+$0xFFFFFF90]  }
0x4a: {  	[tilespmem:s30+$0xFFFFFF30] =	vst v1;
	v0 =	vmul.f32 $1.131370830e+01, v0;
	v1 =	vld [tilespmem:s30+$0xFFFFFFA0]  }
0x4b: {  	[tilespmem:s30+$0xFFFFFF40] =	vst v3;
	v3 =	vmul.f32 $1.131370830e+01, v5;
	v5 =	vld [tilespmem:s30+$0xFFFFFFB0]  }
0x4c: {  	[tilespmem:s30+$0xFFFFFF50] =	vst v0;
	v0 =	vmul.f32 $1.131370830e+01, v6;
	v6 =	vld [tilespmem:s30+$0xFFFFFFC0]  }
0x4d: {  	[tilespmem:s30+$0xFFFFFF60] =	vst v3;
	v2 =	vmul.f32 $1.131370830e+01, v2;
	v3 =	vld [tilespmem:s30+$0xFFFFFFD0]  }
0x4e: {  	[tilespmem:s30+$0xFFFFFF70] =	vst v0;
	v0 =	vmul.f32 $1.131370830e+01, v4;
	v4 =	vld [tilespmem:s30+$0xFFFFFFE0]  }
0x4f: {  	[tilespmem:s30+$0xFFFFFF80] =	vst v2;
	v1 =	vmul.f32 $1.131370830e+01, v1;
	v2 =	vld [tilespmem:s30+$0xFFFFFFF0]  }
0x50: {  	[tilespmem:s30+$0xFFFFFF90] =	vst v0;
	v0 =	vmul.f32 $1.131370830e+01, v5;
	v5 =	vld [tilespmem:s30+$0x0]  }
0x51: {  	[tilespmem:s30+$0xFFFFFFA0] =	vst v1;
	v1 =	vmul.f32 $1.131370830e+01, v6;
	v6 =	vld [tilespmem:s30+$0x10]  }
0x52: {  	[tilespmem:s30+$0xFFFFFFB0] =	vst v0;
	v0 =	vmul.f32 $1.131370830e+01, v3;
	v3 =	vld [tilespmem:s30+$0x20]  }
0x53: {  	[tilespmem:s30+$0xFFFFFFC0] =	vst v1;
	v1 =	vmul.f32 $1.131370830e+01, v4;
	v4 =	vld [tilespmem:s30+$0x30]  }
0x54: {  	[tilespmem:s30+$0xFFFFFFD0] =	vst v0;
	v0 =	vmul.f32 $1.131370830e+01, v2;
	v2 =	vld [tilespmem:s30+$0x40]  }
0x55: {  	[tilespmem:s30+$0xFFFFFFE0] =	vst v1;
	v1 =	vmul.f32 $1.131370830e+01, v5;
	v5 =	vld [tilespmem:s30+$0x50]  }
0x56: {  	[tilespmem:s30+$0xFFFFFFF0] =	vst v0;
	v0 =	vmul.f32 $1.131370830e+01, v6;
	v6 =	vld [tilespmem:s30+$0x60]  }
0x57: {  	[tilespmem:s30+$0x0] =	vst v1;
	v1 =	vmul.f32 $1.131370830e+01, v3;
	v3 =	vld [tilespmem:s30+$0x70]  }
0x58: {  	[tilespmem:s30+$0x10] =	vst v0;
	v0 =	vmul.f32 $1.131370830e+01, v4;
	v4 =	vld [tilespmem:s30+$0x80]  }
0x59: {  	[tilespmem:s30+$0x20] =	vst v1;
	v1 =	vmul.f32 $1.131370830e+01, v2;
	v7 =	vld [tilespmem:s30+$0x90]  }
0x5a: {  	[tilespmem:s30+$0x30] =	vst v0;
	v2 =	vmul.f32 $1.131370830e+01, v5;
	v8 =	vld [tilespmem:s30+$0xA0]  }
.Ltmp0:
0x5b: {  	[tilespmem:s30+$0x40] =	vst v1;
	v5 =	vmul.f32 $1.131370830e+01, v6;
	v0 =	vld [tilespmem:s30+$0xB0];
	(pc) =	sbr.rel @p1 .LBB2_3-.Ltmp0, $4  }
0x5c: {  	[tilespmem:s30+$0x50] =	vst v2;
	v3 =	vmul.f32 $1.131370830e+01, v3;
	v1 =	vld [tilespmem:s30+$0xC0]  }
0x5d: {  	[tilespmem:s30+$0x60] =	vst v5;
	v6 =	vmul.f32 $1.131370830e+01, v4;
	v2 =	vld [tilespmem:s30+$0xD0]  }
0x5e: {  	[tilespmem:s30+$0x70] =	vst v3;
	v5 =	vmul.f32 $1.131370830e+01, v7;
	v3 =	vld [tilespmem:s30+$0xE0]  }
0x5f: {  	s30 =	sadd.s32 $0x200, s30;
	v4 =	vld [tilespmem:s28+$0xFFFFFF00];
	[tilespmem:s28+$0x80] =	vst v6;
	v6 =	vmul.f32 $1.131370830e+01, v8  }
0x60: {  	[tilespmem:s28+$0x90] =	vst v5;
	v0 =	vmul.f32 $1.131370830e+01, v0  }
0x61: {  	[tilespmem:s28+$0xA0] =	vst v6;
	v1 =	vmul.f32 $1.131370830e+01, v1  }
0x62: {  	[tilespmem:s28+$0xB0] =	vst v0;
	v0 =	vmul.f32 $1.131370830e+01, v2  }
0x63: {  	s29 =	sshll.u32 s24, $0x10;
	[tilespmem:s28+$0xC0] =	vst v1;
	v1 =	vmul.f32 $1.131370830e+01, v3  }
0x64: {  	s29 =	sadd.s32 s6, s29;
	v2 =	vmul.f32 $1.131370830e+01, v4;
	[tilespmem:s28+$0xD0] =	vst v0  }
0x65: {  	s29 =	sshrl.u32 s29, $0x3;
	[tilespmem:s28+$0xE0] =	vst v1  }
0x66: {  	[tilespmem:s28+$0xFFFFFF00] =	vst v2;
	s28 =	sadd.s32 s3, s29  }
0x67: {  	[hbm4b:s28+s4] =	stream.linear.scatter [tilespmem:s11], [sflag:$0x5], $0x4000, $0x38;
	[tilespmem:$0x16400] =	vst v63  }
0x68: {  	s28 =	simm.s32 @!p0 $0x8  }
0x69: {  	s26 =	sor.u32 $0x3, s26;
	_ =	swait.ge @!p0 [sflag:s28], $0x4000  }
0x6a: {  	s29 =	sshll.u32 s26, $0x7;
	[sflag:s28] =	ssyncset.done @!p0 $0x0  }
0x6b: {  	[sflag:s28] =	ssyncadd.s32 @!p0 $0xFFFFC000;
	s28 =	sand.u32 $0x3FFFFF80, s29  }
0x6c: {  	[tilespmem:s15], [sflag:$0x4] =	stream.indirect.gather [hbm4b:s2+s10], $0x80, s28, s10, $0xb8;
	[tilespmem:$0x16400] =	vst v63  }
0x6d: {  	_ =	swait.ge [sflag:s16], $0x4000  }
0x6e: {  	[sflag:s16] =	ssyncset.done $0x0  }
0x6f: {  	s28 =	simm.s32 $0xA500;
	[sflag:s16] =	ssyncadd.s32 $0xFFFFC000  }
0x70: {  	v0 =	vld [tilespmem:s28+$0xF0]  }
0x71: {  	v1 =	vld [tilespmem:s28+$0xFFFFFF10]  }
0x72: {  	v2 =	vld [tilespmem:s28+$0xFFFFFF20]  }
0x73: {  	v3 =	vld [tilespmem:s28+$0xFFFFFF30]  }
0x74: {  	v6 =	vld [tilespmem:s28+$0xFFFFFF60]  }
0x75: {  	v4 =	vld [tilespmem:s28+$0xFFFFFF40]  }
0x76: {  	v5 =	vld [tilespmem:s28+$0xFFFFFF50];
	v0 =	vmul.f32 $1.131370830e+01, v0  }
0x77: {  	v8 =	vld [tilespmem:s28+$0xFFFFFF80];
	v1 =	vmul.f32 $1.131370830e+01, v1  }
0x78: {  	v7 =	vld [tilespmem:s28+$0xFFFFFF70];
	v2 =	vmul.f32 $1.131370830e+01, v2;
	[tilespmem:s28+$0xF0] =	vst v0  }
0x79: {  	v6 =	vmul.f32 $1.131370830e+01, v6;
	v0 =	vld [tilespmem:s28+$0xFFFFFF90];
	[tilespmem:s28+$0xFFFFFF10] =	vst v1  }
0x7a: {  	v1 =	vmul.f32 $1.131370830e+01, v3;
	v3 =	vld [tilespmem:s28+$0xFFFFFFA0];
	[tilespmem:s28+$0xFFFFFF20] =	vst v2;
	v2 =	vmul.f32 $1.131370830e+01, v4  }
0x7b: {  	[tilespmem:s28+$0xFFFFFF60] =	vst v6;
	v6 =	vld [tilespmem:s28+$0xFFFFFFF0]  }
0x7c: {  	v4 =	vld [tilespmem:s28+$0xFFFFFFB0];
	[tilespmem:s28+$0xFFFFFF40] =	vst v2;
	v2 =	vmul.f32 $1.131370830e+01, v8  }
0x7d: {  	[tilespmem:s28+$0xFFFFFF30] =	vst v1;
	v1 =	vmul.f32 $1.131370830e+01, v5;
	v5 =	vld [tilespmem:s28+$0xFFFFFFC0]  }
0x7e: {  	v8 =	vld [tilespmem:s28+$0xFFFFFFD0];
	[tilespmem:s28+$0xFFFFFF80] =	vst v2;
	v2 =	vmul.f32 $1.131370830e+01, v7  }
0x7f: {  	[tilespmem:s28+$0xFFFFFF50] =	vst v1;
	v1 =	vld [tilespmem:s28+$0xFFFFFFE0];
	v0 =	vmul.f32 $1.131370830e+01, v0  }
0x80: {  	v7 =	vld [tilespmem:s28+$0x30];
	v6 =	vmul.f32 $1.131370830e+01, v6;
	[tilespmem:s28+$0xFFFFFF70] =	vst v2  }
0x81: {  	v2 =	vmul.f32 $1.131370830e+01, v3;
	v3 =	vld [tilespmem:s28+$0x0];
	[tilespmem:s28+$0xFFFFFF90] =	vst v0  }
0x82: {  	v0 =	vmul.f32 $1.131370830e+01, v4;
	v4 =	vld [tilespmem:s28+$0x10];
	[tilespmem:s28+$0xFFFFFFF0] =	vst v6  }
0x83: {  	[tilespmem:s28+$0xFFFFFFA0] =	vst v2;
	v2 =	vmul.f32 $1.131370830e+01, v5;
	v5 =	vld [tilespmem:s28+$0x20]  }
0x84: {  	v6 =	vld [tilespmem:s28+$0x80];
	[tilespmem:s28+$0xFFFFFFB0] =	vst v0;
	v0 =	vmul.f32 $1.131370830e+01, v8  }
0x85: {  	v1 =	vmul.f32 $1.131370830e+01, v1;
	[tilespmem:s28+$0xFFFFFFC0] =	vst v2;
	v2 =	vld [tilespmem:s28+$0x40]  }
0x86: {  	[tilespmem:s28+$0xFFFFFFD0] =	vst v0;
	v0 =	vmul.f32 $1.131370830e+01, v3  }
0x87: {  	v3 =	vld [tilespmem:s28+$0x50];
	[tilespmem:s28+$0xFFFFFFE0] =	vst v1;
	v4 =	vmul.f32 $1.131370830e+01, v4  }
0x88: {  	v1 =	vld [tilespmem:s28+$0x60];
	[tilespmem:s28+$0x0] =	vst v0;
	v0 =	vmul.f32 $1.131370830e+01, v5  }
0x89: {  	v6 =	vmul.f32 $1.131370830e+01, v6;
	v5 =	vld [tilespmem:s28+$0x70];
	[tilespmem:s28+$0x10] =	vst v4  }
0x8a: {  	v4 =	vmul.f32 $1.131370830e+01, v7;
	v7 =	vld [tilespmem:s28+$0x90];
	[tilespmem:s28+$0x20] =	vst v0;
	v0 =	vmul.f32 $1.131370830e+01, v2  }
0x8b: {  	v8 =	vld [tilespmem:s28+$0xA0];
	[tilespmem:s28+$0x80] =	vst v6  }
0x8c: {  	v2 =	vmul.f32 $1.131370830e+01, v3;
	[tilespmem:s28+$0x40] =	vst v0;
	v0 =	vld [tilespmem:s28+$0xB0]  }
0x8d: {  	[tilespmem:s28+$0x30] =	vst v4;
	v3 =	vmul.f32 $1.131370830e+01, v1;
	v1 =	vld [tilespmem:s28+$0xC0]  }
0x8e: {  	[tilespmem:s28+$0x50] =	vst v2;
	v4 =	vmul.f32 $1.131370830e+01, v5;
	v2 =	vld [tilespmem:s28+$0xD0]  }
0x8f: {  	[tilespmem:s28+$0x60] =	vst v3;
	v3 =	vld [tilespmem:s28+$0xE0];
	v5 =	vmul.f32 $1.131370830e+01, v7  }
0x90: {  	s30 =	simm.s32 $0xA700;
	s29 =	simm.s32 $0x0;
	v6 =	vmul.f32 $1.131370830e+01, v8;
	[tilespmem:s28+$0x70] =	vst v4;
	v4 =	vld [tilespmem:s28+$0xFFFFFF00]  }
.LBB2_5:
0x91: {  	v7 =	vld [tilespmem:s30+$0xF0];
	s29 =	sadd.s32 $0x4, s29;
	[tilespmem:s28+$0x90] =	vst v5;
	v0 =	vmul.f32 $1.131370830e+01, v0  }
0x92: {  	v5 =	vld [tilespmem:s30+$0xFFFFFF10];
	p0 =	slt.u32 s29, $0x7C;
	[tilespmem:s28+$0xA0] =	vst v6;
	v1 =	vmul.f32 $1.131370830e+01, v1  }
0x93: {  	v6 =	vld [tilespmem:s30+$0xFFFFFF20];
	[tilespmem:s28+$0xB0] =	vst v0;
	v0 =	vmul.f32 $1.131370830e+01, v2  }
0x94: {  	v2 =	vld [tilespmem:s30+$0xFFFFFF30];
	[tilespmem:s28+$0xC0] =	vst v1;
	v1 =	vmul.f32 $1.131370830e+01, v3  }
0x95: {  	v3 =	vld [tilespmem:s30+$0xFFFFFF40];
	v4 =	vmul.f32 $1.131370830e+01, v4;
	[tilespmem:s28+$0xD0] =	vst v0  }
0x96: {  	v0 =	vld [tilespmem:s30+$0xFFFFFF50];
	v7 =	vmul.f32 $1.131370830e+01, v7;
	[tilespmem:s28+$0xE0] =	vst v1  }
0x97: {  	v1 =	vmul.f32 $1.131370830e+01, v5;
	v5 =	vld [tilespmem:s30+$0xFFFFFF60];
	[tilespmem:s28+$0xFFFFFF00] =	vst v4;
	s28 =	smov.u32 s30  }
0x98: {  	v4 =	vmul.f32 $1.131370830e+01, v6;
	v6 =	vld [tilespmem:s30+$0xFFFFFF70];
	[tilespmem:s30+$0xF0] =	vst v7  }
0x99: {  	[tilespmem:s30+$0xFFFFFF10] =	vst v1;
	v1 =	vmul.f32 $1.131370830e+01, v2;
	v2 =	vld [tilespmem:s30+$0xFFFFFF80]  }
0x9a: {  	[tilespmem:s30+$0xFFFFFF20] =	vst v4;
	v3 =	vmul.f32 $1.131370830e+01, v3;
	v4 =	vld [tilespmem:s30+$0xFFFFFF90]  }
0x9b: {  	[tilespmem:s30+$0xFFFFFF30] =	vst v1;
	v0 =	vmul.f32 $1.131370830e+01, v0;
	v1 =	vld [tilespmem:s30+$0xFFFFFFA0]  }
0x9c: {  	[tilespmem:s30+$0xFFFFFF40] =	vst v3;
	v3 =	vmul.f32 $1.131370830e+01, v5;
	v5 =	vld [tilespmem:s30+$0xFFFFFFB0]  }
0x9d: {  	[tilespmem:s30+$0xFFFFFF50] =	vst v0;
	v0 =	vmul.f32 $1.131370830e+01, v6;
	v6 =	vld [tilespmem:s30+$0xFFFFFFC0]  }
0x9e: {  	[tilespmem:s30+$0xFFFFFF60] =	vst v3;
	v2 =	vmul.f32 $1.131370830e+01, v2;
	v3 =	vld [tilespmem:s30+$0xFFFFFFD0]  }
0x9f: {  	[tilespmem:s30+$0xFFFFFF70] =	vst v0;
	v0 =	vmul.f32 $1.131370830e+01, v4;
	v4 =	vld [tilespmem:s30+$0xFFFFFFE0]  }
0xa0: {  	[tilespmem:s30+$0xFFFFFF80] =	vst v2;
	v1 =	vmul.f32 $1.131370830e+01, v1;
	v2 =	vld [tilespmem:s30+$0xFFFFFFF0]  }
0xa1: {  	[tilespmem:s30+$0xFFFFFF90] =	vst v0;
	v0 =	vmul.f32 $1.131370830e+01, v5;
	v5 =	vld [tilespmem:s30+$0x0]  }
0xa2: {  	[tilespmem:s30+$0xFFFFFFA0] =	vst v1;
	v1 =	vmul.f32 $1.131370830e+01, v6;
	v6 =	vld [tilespmem:s30+$0x10]  }
0xa3: {  	[tilespmem:s30+$0xFFFFFFB0] =	vst v0;
	v0 =	vmul.f32 $1.131370830e+01, v3;
	v3 =	vld [tilespmem:s30+$0x20]  }
0xa4: {  	[tilespmem:s30+$0xFFFFFFC0] =	vst v1;
	v1 =	vmul.f32 $1.131370830e+01, v4;
	v4 =	vld [tilespmem:s30+$0x30]  }
0xa5: {  	[tilespmem:s30+$0xFFFFFFD0] =	vst v0;
	v0 =	vmul.f32 $1.131370830e+01, v2;
	v2 =	vld [tilespmem:s30+$0x40]  }
0xa6: {  	[tilespmem:s30+$0xFFFFFFE0] =	vst v1;
	v1 =	vmul.f32 $1.131370830e+01, v5;
	v5 =	vld [tilespmem:s30+$0x50]  }
0xa7: {  	[tilespmem:s30+$0xFFFFFFF0] =	vst v0;
	v0 =	vmul.f32 $1.131370830e+01, v6;
	v6 =	vld [tilespmem:s30+$0x60]  }
0xa8: {  	[tilespmem:s30+$0x0] =	vst v1;
	v1 =	vmul.f32 $1.131370830e+01, v3;
	v3 =	vld [tilespmem:s30+$0x70]  }
0xa9: {  	[tilespmem:s30+$0x10] =	vst v0;
	v0 =	vmul.f32 $1.131370830e+01, v4;
	v4 =	vld [tilespmem:s30+$0x80]  }
0xaa: {  	[tilespmem:s30+$0x20] =	vst v1;
	v1 =	vmul.f32 $1.131370830e+01, v2;
	v7 =	vld [tilespmem:s30+$0x90]  }
0xab: {  	[tilespmem:s30+$0x30] =	vst v0;
	v2 =	vmul.f32 $1.131370830e+01, v5;
	v8 =	vld [tilespmem:s30+$0xA0]  }
.Ltmp1:
0xac: {  	[tilespmem:s30+$0x40] =	vst v1;
	v5 =	vmul.f32 $1.131370830e+01, v6;
	v0 =	vld [tilespmem:s30+$0xB0];
	(pc) =	sbr.rel @p0 .LBB2_5-.Ltmp1, $4  }
0xad: {  	[tilespmem:s30+$0x50] =	vst v2;
	v3 =	vmul.f32 $1.131370830e+01, v3;
	v1 =	vld [tilespmem:s30+$0xC0]  }
0xae: {  	[tilespmem:s30+$0x60] =	vst v5;
	v6 =	vmul.f32 $1.131370830e+01, v4;
	v2 =	vld [tilespmem:s30+$0xD0]  }
0xaf: {  	[tilespmem:s30+$0x70] =	vst v3;
	v5 =	vmul.f32 $1.131370830e+01, v7;
	v3 =	vld [tilespmem:s30+$0xE0]  }
0xb0: {  	s30 =	sadd.s32 $0x200, s30;
	v4 =	vld [tilespmem:s28+$0xFFFFFF00];
	[tilespmem:s28+$0x80] =	vst v6;
	v6 =	vmul.f32 $1.131370830e+01, v8  }
0xb1: {  	[tilespmem:s28+$0x90] =	vst v5;
	v0 =	vmul.f32 $1.131370830e+01, v0  }
0xb2: {  	[tilespmem:s28+$0xA0] =	vst v6;
	v1 =	vmul.f32 $1.131370830e+01, v1  }
0xb3: {  	[tilespmem:s28+$0xB0] =	vst v0;
	v0 =	vmul.f32 $1.131370830e+01, v2  }
0xb4: {  	[tilespmem:s28+$0xC0] =	vst v1;
	v1 =	vmul.f32 $1.131370830e+01, v3  }
0xb5: {  	v2 =	vmul.f32 $1.131370830e+01, v4;
	[tilespmem:s28+$0xD0] =	vst v0  }
0xb6: {  	s29 =	sshll.u32 s24, $0xD;
	[tilespmem:s28+$0xE0] =	vst v1  }
0xb7: {  	p0 =	seq.s32 s24, $0x31;
	[tilespmem:s28+$0xFFFFFF00] =	vst v2;
	s28 =	sadd.s32 s8, s29  }
0xb8: {  	[hbm4b:s28+s4] =	stream.linear.scatter [tilespmem:s12], [sflag:$0x6], $0x4000, $0x38;
	[tilespmem:$0x16400] =	vst v63  }
0xb9: {  	s28 =	sshll.u32 @!p0 s24, $0x9;
	_ =	swait.ge [sflag:s17], $0x4000  }
0xba: {  	s30 =	simm.s32 @!p0 $0x80;
	s28 =	sand.u32 @!p0 $0x3FFFFE00, s28;
	[sflag:s17] =	ssyncset.done $0x0  }
0xbb: {  	s31 =	simm.s32 @!p0 $0x6400;
	s29 =	sadd.s32 @!p0 $0x200, s28;
	[sflag:s17] =	ssyncadd.s32 $0xFFFFC000  }
0xbc: {  	[tilespmem:s31], [sflag:$0x1] =	stream.indirect.gather @!p0 [hbm4b:s2+s30], $0x80, s29, s30, $0xb8;
	[tilespmem:$0x16400] =	vst v63  }
0xbd: {  	_ =	swait.ge [sflag:s18], $0x4000  }
0xbe: {  	[sflag:s18] =	ssyncset.done $0x0  }
0xbf: {  	s29 =	simm.s32 $0xE500;
	[sflag:s18] =	ssyncadd.s32 $0xFFFFC000  }
0xc0: {  	v0 =	vld [tilespmem:s29+$0xF0]  }
0xc1: {  	v1 =	vld [tilespmem:s29+$0xFFFFFF10]  }
0xc2: {  	v2 =	vld [tilespmem:s29+$0xFFFFFF20]  }
0xc3: {  	v3 =	vld [tilespmem:s29+$0xFFFFFF30]  }
0xc4: {  	v6 =	vld [tilespmem:s29+$0xFFFFFF60]  }
0xc5: {  	v4 =	vld [tilespmem:s29+$0xFFFFFF40]  }
0xc6: {  	v5 =	vld [tilespmem:s29+$0xFFFFFF50];
	v0 =	vmul.f32 $1.131370830e+01, v0  }
0xc7: {  	v8 =	vld [tilespmem:s29+$0xFFFFFF80];
	v1 =	vmul.f32 $1.131370830e+01, v1  }
0xc8: {  	v7 =	vld [tilespmem:s29+$0xFFFFFF70];
	v2 =	vmul.f32 $1.131370830e+01, v2;
	[tilespmem:s29+$0xF0] =	vst v0  }
0xc9: {  	v6 =	vmul.f32 $1.131370830e+01, v6;
	v0 =	vld [tilespmem:s29+$0xFFFFFF90];
	[tilespmem:s29+$0xFFFFFF10] =	vst v1  }
0xca: {  	v1 =	vmul.f32 $1.131370830e+01, v3;
	v3 =	vld [tilespmem:s29+$0xFFFFFFA0];
	[tilespmem:s29+$0xFFFFFF20] =	vst v2;
	v2 =	vmul.f32 $1.131370830e+01, v4  }
0xcb: {  	[tilespmem:s29+$0xFFFFFF60] =	vst v6;
	v6 =	vld [tilespmem:s29+$0xFFFFFFF0]  }
0xcc: {  	v4 =	vld [tilespmem:s29+$0xFFFFFFB0];
	[tilespmem:s29+$0xFFFFFF40] =	vst v2;
	v2 =	vmul.f32 $1.131370830e+01, v8  }
0xcd: {  	[tilespmem:s29+$0xFFFFFF30] =	vst v1;
	v1 =	vmul.f32 $1.131370830e+01, v5;
	v5 =	vld [tilespmem:s29+$0xFFFFFFC0]  }
0xce: {  	v8 =	vld [tilespmem:s29+$0xFFFFFFD0];
	[tilespmem:s29+$0xFFFFFF80] =	vst v2;
	v2 =	vmul.f32 $1.131370830e+01, v7  }
0xcf: {  	[tilespmem:s29+$0xFFFFFF50] =	vst v1;
	v1 =	vld [tilespmem:s29+$0xFFFFFFE0];
	v0 =	vmul.f32 $1.131370830e+01, v0  }
0xd0: {  	v7 =	vld [tilespmem:s29+$0x30];
	v6 =	vmul.f32 $1.131370830e+01, v6;
	[tilespmem:s29+$0xFFFFFF70] =	vst v2  }
0xd1: {  	v2 =	vmul.f32 $1.131370830e+01, v3;
	v3 =	vld [tilespmem:s29+$0x0];
	[tilespmem:s29+$0xFFFFFF90] =	vst v0  }
0xd2: {  	v0 =	vmul.f32 $1.131370830e+01, v4;
	v4 =	vld [tilespmem:s29+$0x10];
	[tilespmem:s29+$0xFFFFFFF0] =	vst v6  }
0xd3: {  	[tilespmem:s29+$0xFFFFFFA0] =	vst v2;
	v2 =	vmul.f32 $1.131370830e+01, v5;
	v5 =	vld [tilespmem:s29+$0x20]  }
0xd4: {  	v6 =	vld [tilespmem:s29+$0x80];
	[tilespmem:s29+$0xFFFFFFB0] =	vst v0;
	v0 =	vmul.f32 $1.131370830e+01, v8  }
0xd5: {  	v1 =	vmul.f32 $1.131370830e+01, v1;
	[tilespmem:s29+$0xFFFFFFC0] =	vst v2;
	v2 =	vld [tilespmem:s29+$0x40]  }
0xd6: {  	[tilespmem:s29+$0xFFFFFFD0] =	vst v0;
	v0 =	vmul.f32 $1.131370830e+01, v3  }
0xd7: {  	v3 =	vld [tilespmem:s29+$0x50];
	[tilespmem:s29+$0xFFFFFFE0] =	vst v1;
	v4 =	vmul.f32 $1.131370830e+01, v4  }
0xd8: {  	v1 =	vld [tilespmem:s29+$0x60];
	[tilespmem:s29+$0x0] =	vst v0;
	v0 =	vmul.f32 $1.131370830e+01, v5  }
0xd9: {  	v6 =	vmul.f32 $1.131370830e+01, v6;
	v5 =	vld [tilespmem:s29+$0x70];
	[tilespmem:s29+$0x10] =	vst v4  }
0xda: {  	v4 =	vmul.f32 $1.131370830e+01, v7;
	v7 =	vld [tilespmem:s29+$0x90];
	[tilespmem:s29+$0x20] =	vst v0;
	v0 =	vmul.f32 $1.131370830e+01, v2  }
0xdb: {  	v8 =	vld [tilespmem:s29+$0xA0];
	[tilespmem:s29+$0x80] =	vst v6  }
0xdc: {  	v2 =	vmul.f32 $1.131370830e+01, v3;
	[tilespmem:s29+$0x40] =	vst v0;
	v0 =	vld [tilespmem:s29+$0xB0]  }
0xdd: {  	[tilespmem:s29+$0x30] =	vst v4;
	v3 =	vmul.f32 $1.131370830e+01, v1;
	v1 =	vld [tilespmem:s29+$0xC0]  }
0xde: {  	[tilespmem:s29+$0x50] =	vst v2;
	v4 =	vmul.f32 $1.131370830e+01, v5;
	v2 =	vld [tilespmem:s29+$0xD0]  }
0xdf: {  	[tilespmem:s29+$0x60] =	vst v3;
	v3 =	vld [tilespmem:s29+$0xE0];
	v5 =	vmul.f32 $1.131370830e+01, v7  }
0xe0: {  	s30 =	simm.s32 $0x0;
	s31 =	simm.s32 $0xE700;
	v6 =	vmul.f32 $1.131370830e+01, v8;
	[tilespmem:s29+$0x70] =	vst v4;
	v4 =	vld [tilespmem:s29+$0xFFFFFF00]  }
.LBB2_7:
0xe1: {  	v7 =	vld [tilespmem:s31+$0xF0];
	s30 =	sadd.s32 $0x4, s30;
	[tilespmem:s29+$0x90] =	vst v5;
	v0 =	vmul.f32 $1.131370830e+01, v0  }
0xe2: {  	v5 =	vld [tilespmem:s31+$0xFFFFFF10];
	p1 =	slt.u32 s30, $0x7C;
	[tilespmem:s29+$0xA0] =	vst v6;
	v1 =	vmul.f32 $1.131370830e+01, v1  }
0xe3: {  	v6 =	vld [tilespmem:s31+$0xFFFFFF20];
	[tilespmem:s29+$0xB0] =	vst v0;
	v0 =	vmul.f32 $1.131370830e+01, v2  }
0xe4: {  	v2 =	vld [tilespmem:s31+$0xFFFFFF30];
	[tilespmem:s29+$0xC0] =	vst v1;
	v1 =	vmul.f32 $1.131370830e+01, v3  }
0xe5: {  	v3 =	vld [tilespmem:s31+$0xFFFFFF40];
	v4 =	vmul.f32 $1.131370830e+01, v4;
	[tilespmem:s29+$0xD0] =	vst v0  }
0xe6: {  	v0 =	vld [tilespmem:s31+$0xFFFFFF50];
	v7 =	vmul.f32 $1.131370830e+01, v7;
	[tilespmem:s29+$0xE0] =	vst v1  }
0xe7: {  	v1 =	vmul.f32 $1.131370830e+01, v5;
	v5 =	vld [tilespmem:s31+$0xFFFFFF60];
	[tilespmem:s29+$0xFFFFFF00] =	vst v4;
	s29 =	smov.u32 s31  }
0xe8: {  	v4 =	vmul.f32 $1.131370830e+01, v6;
	v6 =	vld [tilespmem:s31+$0xFFFFFF70];
	[tilespmem:s31+$0xF0] =	vst v7  }
0xe9: {  	[tilespmem:s31+$0xFFFFFF10] =	vst v1;
	v1 =	vmul.f32 $1.131370830e+01, v2;
	v2 =	vld [tilespmem:s31+$0xFFFFFF80]  }
0xea: {  	[tilespmem:s31+$0xFFFFFF20] =	vst v4;
	v3 =	vmul.f32 $1.131370830e+01, v3;
	v4 =	vld [tilespmem:s31+$0xFFFFFF90]  }
0xeb: {  	[tilespmem:s31+$0xFFFFFF30] =	vst v1;
	v0 =	vmul.f32 $1.131370830e+01, v0;
	v1 =	vld [tilespmem:s31+$0xFFFFFFA0]  }
0xec: {  	[tilespmem:s31+$0xFFFFFF40] =	vst v3;
	v3 =	vmul.f32 $1.131370830e+01, v5;
	v5 =	vld [tilespmem:s31+$0xFFFFFFB0]  }
0xed: {  	[tilespmem:s31+$0xFFFFFF50] =	vst v0;
	v0 =	vmul.f32 $1.131370830e+01, v6;
	v6 =	vld [tilespmem:s31+$0xFFFFFFC0]  }
0xee: {  	[tilespmem:s31+$0xFFFFFF60] =	vst v3;
	v2 =	vmul.f32 $1.131370830e+01, v2;
	v3 =	vld [tilespmem:s31+$0xFFFFFFD0]  }
0xef: {  	[tilespmem:s31+$0xFFFFFF70] =	vst v0;
	v0 =	vmul.f32 $1.131370830e+01, v4;
	v4 =	vld [tilespmem:s31+$0xFFFFFFE0]  }
0xf0: {  	[tilespmem:s31+$0xFFFFFF80] =	vst v2;
	v1 =	vmul.f32 $1.131370830e+01, v1;
	v2 =	vld [tilespmem:s31+$0xFFFFFFF0]  }
0xf1: {  	[tilespmem:s31+$0xFFFFFF90] =	vst v0;
	v0 =	vmul.f32 $1.131370830e+01, v5;
	v5 =	vld [tilespmem:s31+$0x0]  }
0xf2: {  	[tilespmem:s31+$0xFFFFFFA0] =	vst v1;
	v1 =	vmul.f32 $1.131370830e+01, v6;
	v6 =	vld [tilespmem:s31+$0x10]  }
0xf3: {  	[tilespmem:s31+$0xFFFFFFB0] =	vst v0;
	v0 =	vmul.f32 $1.131370830e+01, v3;
	v3 =	vld [tilespmem:s31+$0x20]  }
0xf4: {  	[tilespmem:s31+$0xFFFFFFC0] =	vst v1;
	v1 =	vmul.f32 $1.131370830e+01, v4;
	v4 =	vld [tilespmem:s31+$0x30]  }
0xf5: {  	[tilespmem:s31+$0xFFFFFFD0] =	vst v0;
	v0 =	vmul.f32 $1.131370830e+01, v2;
	v2 =	vld [tilespmem:s31+$0x40]  }
0xf6: {  	[tilespmem:s31+$0xFFFFFFE0] =	vst v1;
	v1 =	vmul.f32 $1.131370830e+01, v5;
	v5 =	vld [tilespmem:s31+$0x50]  }
0xf7: {  	[tilespmem:s31+$0xFFFFFFF0] =	vst v0;
	v0 =	vmul.f32 $1.131370830e+01, v6;
	v6 =	vld [tilespmem:s31+$0x60]  }
0xf8: {  	[tilespmem:s31+$0x0] =	vst v1;
	v1 =	vmul.f32 $1.131370830e+01, v3;
	v3 =	vld [tilespmem:s31+$0x70]  }
0xf9: {  	[tilespmem:s31+$0x10] =	vst v0;
	v0 =	vmul.f32 $1.131370830e+01, v4;
	v4 =	vld [tilespmem:s31+$0x80]  }
0xfa: {  	[tilespmem:s31+$0x20] =	vst v1;
	v1 =	vmul.f32 $1.131370830e+01, v2;
	v7 =	vld [tilespmem:s31+$0x90]  }
0xfb: {  	[tilespmem:s31+$0x30] =	vst v0;
	v2 =	vmul.f32 $1.131370830e+01, v5;
	v8 =	vld [tilespmem:s31+$0xA0]  }
.Ltmp2:
0xfc: {  	[tilespmem:s31+$0x40] =	vst v1;
	v5 =	vmul.f32 $1.131370830e+01, v6;
	v0 =	vld [tilespmem:s31+$0xB0];
	(pc) =	sbr.rel @p1 .LBB2_7-.Ltmp2, $4  }
0xfd: {  	[tilespmem:s31+$0x50] =	vst v2;
	v3 =	vmul.f32 $1.131370830e+01, v3;
	v1 =	vld [tilespmem:s31+$0xC0]  }
0xfe: {  	[tilespmem:s31+$0x60] =	vst v5;
	v6 =	vmul.f32 $1.131370830e+01, v4;
	v2 =	vld [tilespmem:s31+$0xD0]  }
0xff: {  	[tilespmem:s31+$0x70] =	vst v3;
	v5 =	vmul.f32 $1.131370830e+01, v7;
	v3 =	vld [tilespmem:s31+$0xE0]  }
0x100: {  	s31 =	sadd.s32 $0x200, s31;
	v4 =	vld [tilespmem:s29+$0xFFFFFF00];
	[tilespmem:s29+$0x80] =	vst v6;
	v6 =	vmul.f32 $1.131370830e+01, v8  }
0x101: {  	[tilespmem:s29+$0x90] =	vst v5;
	v0 =	vmul.f32 $1.131370830e+01, v0  }
0x102: {  	[tilespmem:s29+$0xA0] =	vst v6;
	v1 =	vmul.f32 $1.131370830e+01, v1  }
0x103: {  	[tilespmem:s29+$0xB0] =	vst v0;
	v0 =	vmul.f32 $1.131370830e+01, v2  }
0x104: {  	s25 =	sshll.u32 s25, $0xE;
	[tilespmem:s29+$0xC0] =	vst v1;
	v1 =	vmul.f32 $1.131370830e+01, v3  }
0x105: {  	s25 =	sadd.s32 s6, s25;
	v2 =	vmul.f32 $1.131370830e+01, v4;
	[tilespmem:s29+$0xD0] =	vst v0  }
0x106: {  	s25 =	sshrl.u32 s25, $0x3;
	[tilespmem:s29+$0xE0] =	vst v1  }
0x107: {  	s25 =	sadd.s32 s3, s25;
	[tilespmem:s29+$0xFFFFFF00] =	vst v2  }
0x108: {  	[hbm4b:s25+s4] =	stream.linear.scatter [tilespmem:s13], [sflag:$0x7], $0x4000, $0x38;
	[tilespmem:$0x16400] =	vst v63  }
0x109: {  	_ =	swait.ge [sflag:s19], $0x4000  }
0x10a: {  	s29 =	simm.s32 @!p0 $0xA400;
	[sflag:s19] =	ssyncset.done $0x0  }
0x10b: {  	s25 =	sadd.s32 @!p0 $0x280, s28;
	s28 =	simm.s32 @!p0 $0x80;
	[sflag:s19] =	ssyncadd.s32 $0xFFFFC000  }
0x10c: {  	[tilespmem:s29], [sflag:$0x2] =	stream.indirect.gather @!p0 [hbm4b:s2+s28], $0x80, s25, s28, $0xb8;
	[tilespmem:$0x16400] =	vst v63  }
0x10d: {  	_ =	swait.ge [sflag:s20], $0x4000  }
0x10e: {  	[sflag:s20] =	ssyncset.done $0x0  }
0x10f: {  	s25 =	simm.s32 $0x12500;
	[sflag:s20] =	ssyncadd.s32 $0xFFFFC000  }
0x110: {  	v0 =	vld [tilespmem:s25+$0xF0]  }
0x111: {  	v1 =	vld [tilespmem:s25+$0xFFFFFF10]  }
0x112: {  	v2 =	vld [tilespmem:s25+$0xFFFFFF20]  }
0x113: {  	v3 =	vld [tilespmem:s25+$0xFFFFFF30]  }
0x114: {  	v6 =	vld [tilespmem:s25+$0xFFFFFF60]  }
0x115: {  	v4 =	vld [tilespmem:s25+$0xFFFFFF40]  }
0x116: {  	v5 =	vld [tilespmem:s25+$0xFFFFFF50];
	v0 =	vmul.f32 $1.131370830e+01, v0  }
0x117: {  	v8 =	vld [tilespmem:s25+$0xFFFFFF80];
	v1 =	vmul.f32 $1.131370830e+01, v1  }
0x118: {  	v7 =	vld [tilespmem:s25+$0xFFFFFF70];
	v2 =	vmul.f32 $1.131370830e+01, v2;
	[tilespmem:s25+$0xF0] =	vst v0  }
0x119: {  	v6 =	vmul.f32 $1.131370830e+01, v6;
	v0 =	vld [tilespmem:s25+$0xFFFFFF90];
	[tilespmem:s25+$0xFFFFFF10] =	vst v1  }
0x11a: {  	v1 =	vmul.f32 $1.131370830e+01, v3;
	v3 =	vld [tilespmem:s25+$0xFFFFFFA0];
	[tilespmem:s25+$0xFFFFFF20] =	vst v2;
	v2 =	vmul.f32 $1.131370830e+01, v4  }
0x11b: {  	[tilespmem:s25+$0xFFFFFF60] =	vst v6;
	v6 =	vld [tilespmem:s25+$0xFFFFFFF0]  }
0x11c: {  	v4 =	vld [tilespmem:s25+$0xFFFFFFB0];
	[tilespmem:s25+$0xFFFFFF40] =	vst v2;
	v2 =	vmul.f32 $1.131370830e+01, v8  }
0x11d: {  	[tilespmem:s25+$0xFFFFFF30] =	vst v1;
	v1 =	vmul.f32 $1.131370830e+01, v5;
	v5 =	vld [tilespmem:s25+$0xFFFFFFC0]  }
0x11e: {  	v8 =	vld [tilespmem:s25+$0xFFFFFFD0];
	[tilespmem:s25+$0xFFFFFF80] =	vst v2;
	v2 =	vmul.f32 $1.131370830e+01, v7  }
0x11f: {  	[tilespmem:s25+$0xFFFFFF50] =	vst v1;
	v1 =	vld [tilespmem:s25+$0xFFFFFFE0];
	v0 =	vmul.f32 $1.131370830e+01, v0  }
0x120: {  	v7 =	vld [tilespmem:s25+$0x30];
	v6 =	vmul.f32 $1.131370830e+01, v6;
	[tilespmem:s25+$0xFFFFFF70] =	vst v2  }
0x121: {  	v2 =	vmul.f32 $1.131370830e+01, v3;
	v3 =	vld [tilespmem:s25+$0x0];
	[tilespmem:s25+$0xFFFFFF90] =	vst v0  }
0x122: {  	v0 =	vmul.f32 $1.131370830e+01, v4;
	v4 =	vld [tilespmem:s25+$0x10];
	[tilespmem:s25+$0xFFFFFFF0] =	vst v6  }
0x123: {  	[tilespmem:s25+$0xFFFFFFA0] =	vst v2;
	v2 =	vmul.f32 $1.131370830e+01, v5;
	v5 =	vld [tilespmem:s25+$0x20]  }
0x124: {  	v6 =	vld [tilespmem:s25+$0x80];
	[tilespmem:s25+$0xFFFFFFB0] =	vst v0;
	v0 =	vmul.f32 $1.131370830e+01, v8  }
0x125: {  	v1 =	vmul.f32 $1.131370830e+01, v1;
	[tilespmem:s25+$0xFFFFFFC0] =	vst v2;
	v2 =	vld [tilespmem:s25+$0x40]  }
0x126: {  	[tilespmem:s25+$0xFFFFFFD0] =	vst v0;
	v0 =	vmul.f32 $1.131370830e+01, v3  }
0x127: {  	v3 =	vld [tilespmem:s25+$0x50];
	[tilespmem:s25+$0xFFFFFFE0] =	vst v1;
	v4 =	vmul.f32 $1.131370830e+01, v4  }
0x128: {  	v1 =	vld [tilespmem:s25+$0x60];
	[tilespmem:s25+$0x0] =	vst v0;
	v0 =	vmul.f32 $1.131370830e+01, v5  }
0x129: {  	v6 =	vmul.f32 $1.131370830e+01, v6;
	v5 =	vld [tilespmem:s25+$0x70];
	[tilespmem:s25+$0x10] =	vst v4  }
0x12a: {  	v4 =	vmul.f32 $1.131370830e+01, v7;
	v7 =	vld [tilespmem:s25+$0x90];
	[tilespmem:s25+$0x20] =	vst v0;
	v0 =	vmul.f32 $1.131370830e+01, v2  }
0x12b: {  	v8 =	vld [tilespmem:s25+$0xA0];
	[tilespmem:s25+$0x80] =	vst v6  }
0x12c: {  	v2 =	vmul.f32 $1.131370830e+01, v3;
	[tilespmem:s25+$0x40] =	vst v0;
	v0 =	vld [tilespmem:s25+$0xB0]  }
0x12d: {  	[tilespmem:s25+$0x30] =	vst v4;
	v3 =	vmul.f32 $1.131370830e+01, v1;
	v1 =	vld [tilespmem:s25+$0xC0]  }
0x12e: {  	[tilespmem:s25+$0x50] =	vst v2;
	v4 =	vmul.f32 $1.131370830e+01, v5;
	v2 =	vld [tilespmem:s25+$0xD0]  }
0x12f: {  	[tilespmem:s25+$0x60] =	vst v3;
	v3 =	vld [tilespmem:s25+$0xE0];
	v5 =	vmul.f32 $1.131370830e+01, v7  }
0x130: {  	s28 =	simm.s32 $0x0;
	s29 =	simm.s32 $0x12700;
	v6 =	vmul.f32 $1.131370830e+01, v8;
	[tilespmem:s25+$0x70] =	vst v4;
	v4 =	vld [tilespmem:s25+$0xFFFFFF00]  }
.LBB2_9:
0x131: {  	v7 =	vld [tilespmem:s29+$0xF0];
	s28 =	sadd.s32 $0x4, s28;
	[tilespmem:s25+$0x90] =	vst v5;
	v0 =	vmul.f32 $1.131370830e+01, v0  }
0x132: {  	v5 =	vld [tilespmem:s29+$0xFFFFFF10];
	p0 =	slt.u32 s28, $0x7C;
	[tilespmem:s25+$0xA0] =	vst v6;
	v1 =	vmul.f32 $1.131370830e+01, v1  }
0x133: {  	v6 =	vld [tilespmem:s29+$0xFFFFFF20];
	[tilespmem:s25+$0xB0] =	vst v0;
	v0 =	vmul.f32 $1.131370830e+01, v2  }
0x134: {  	v2 =	vld [tilespmem:s29+$0xFFFFFF30];
	[tilespmem:s25+$0xC0] =	vst v1;
	v1 =	vmul.f32 $1.131370830e+01, v3  }
0x135: {  	v3 =	vld [tilespmem:s29+$0xFFFFFF40];
	v4 =	vmul.f32 $1.131370830e+01, v4;
	[tilespmem:s25+$0xD0] =	vst v0  }
0x136: {  	v0 =	vld [tilespmem:s29+$0xFFFFFF50];
	v7 =	vmul.f32 $1.131370830e+01, v7;
	[tilespmem:s25+$0xE0] =	vst v1  }
0x137: {  	v1 =	vmul.f32 $1.131370830e+01, v5;
	v5 =	vld [tilespmem:s29+$0xFFFFFF60];
	[tilespmem:s25+$0xFFFFFF00] =	vst v4;
	s25 =	smov.u32 s29  }
0x138: {  	v4 =	vmul.f32 $1.131370830e+01, v6;
	v6 =	vld [tilespmem:s29+$0xFFFFFF70];
	[tilespmem:s29+$0xF0] =	vst v7  }
0x139: {  	[tilespmem:s29+$0xFFFFFF10] =	vst v1;
	v1 =	vmul.f32 $1.131370830e+01, v2;
	v2 =	vld [tilespmem:s29+$0xFFFFFF80]  }
0x13a: {  	[tilespmem:s29+$0xFFFFFF20] =	vst v4;
	v3 =	vmul.f32 $1.131370830e+01, v3;
	v4 =	vld [tilespmem:s29+$0xFFFFFF90]  }
0x13b: {  	[tilespmem:s29+$0xFFFFFF30] =	vst v1;
	v0 =	vmul.f32 $1.131370830e+01, v0;
	v1 =	vld [tilespmem:s29+$0xFFFFFFA0]  }
0x13c: {  	[tilespmem:s29+$0xFFFFFF40] =	vst v3;
	v3 =	vmul.f32 $1.131370830e+01, v5;
	v5 =	vld [tilespmem:s29+$0xFFFFFFB0]  }
0x13d: {  	[tilespmem:s29+$0xFFFFFF50] =	vst v0;
	v0 =	vmul.f32 $1.131370830e+01, v6;
	v6 =	vld [tilespmem:s29+$0xFFFFFFC0]  }
0x13e: {  	[tilespmem:s29+$0xFFFFFF60] =	vst v3;
	v2 =	vmul.f32 $1.131370830e+01, v2;
	v3 =	vld [tilespmem:s29+$0xFFFFFFD0]  }
0x13f: {  	[tilespmem:s29+$0xFFFFFF70] =	vst v0;
	v0 =	vmul.f32 $1.131370830e+01, v4;
	v4 =	vld [tilespmem:s29+$0xFFFFFFE0]  }
0x140: {  	[tilespmem:s29+$0xFFFFFF80] =	vst v2;
	v1 =	vmul.f32 $1.131370830e+01, v1;
	v2 =	vld [tilespmem:s29+$0xFFFFFFF0]  }
0x141: {  	[tilespmem:s29+$0xFFFFFF90] =	vst v0;
	v0 =	vmul.f32 $1.131370830e+01, v5;
	v5 =	vld [tilespmem:s29+$0x0]  }
0x142: {  	[tilespmem:s29+$0xFFFFFFA0] =	vst v1;
	v1 =	vmul.f32 $1.131370830e+01, v6;
	v6 =	vld [tilespmem:s29+$0x10]  }
0x143: {  	[tilespmem:s29+$0xFFFFFFB0] =	vst v0;
	v0 =	vmul.f32 $1.131370830e+01, v3;
	v3 =	vld [tilespmem:s29+$0x20]  }
0x144: {  	[tilespmem:s29+$0xFFFFFFC0] =	vst v1;
	v1 =	vmul.f32 $1.131370830e+01, v4;
	v4 =	vld [tilespmem:s29+$0x30]  }
0x145: {  	[tilespmem:s29+$0xFFFFFFD0] =	vst v0;
	v0 =	vmul.f32 $1.131370830e+01, v2;
	v2 =	vld [tilespmem:s29+$0x40]  }
0x146: {  	[tilespmem:s29+$0xFFFFFFE0] =	vst v1;
	v1 =	vmul.f32 $1.131370830e+01, v5;
	v5 =	vld [tilespmem:s29+$0x50]  }
0x147: {  	[tilespmem:s29+$0xFFFFFFF0] =	vst v0;
	v0 =	vmul.f32 $1.131370830e+01, v6;
	v6 =	vld [tilespmem:s29+$0x60]  }
0x148: {  	[tilespmem:s29+$0x0] =	vst v1;
	v1 =	vmul.f32 $1.131370830e+01, v3;
	v3 =	vld [tilespmem:s29+$0x70]  }
0x149: {  	[tilespmem:s29+$0x10] =	vst v0;
	v0 =	vmul.f32 $1.131370830e+01, v4;
	v4 =	vld [tilespmem:s29+$0x80]  }
0x14a: {  	[tilespmem:s29+$0x20] =	vst v1;
	v1 =	vmul.f32 $1.131370830e+01, v2;
	v7 =	vld [tilespmem:s29+$0x90]  }
0x14b: {  	[tilespmem:s29+$0x30] =	vst v0;
	v2 =	vmul.f32 $1.131370830e+01, v5;
	v8 =	vld [tilespmem:s29+$0xA0]  }
.Ltmp3:
0x14c: {  	[tilespmem:s29+$0x40] =	vst v1;
	v5 =	vmul.f32 $1.131370830e+01, v6;
	v0 =	vld [tilespmem:s29+$0xB0];
	(pc) =	sbr.rel @p0 .LBB2_9-.Ltmp3, $4  }
0x14d: {  	[tilespmem:s29+$0x50] =	vst v2;
	v3 =	vmul.f32 $1.131370830e+01, v3;
	v1 =	vld [tilespmem:s29+$0xC0]  }
0x14e: {  	[tilespmem:s29+$0x60] =	vst v5;
	v6 =	vmul.f32 $1.131370830e+01, v4;
	v2 =	vld [tilespmem:s29+$0xD0]  }
0x14f: {  	[tilespmem:s29+$0x70] =	vst v3;
	v5 =	vmul.f32 $1.131370830e+01, v7;
	v3 =	vld [tilespmem:s29+$0xE0]  }
0x150: {  	s29 =	sadd.s32 $0x200, s29;
	v4 =	vld [tilespmem:s25+$0xFFFFFF00];
	[tilespmem:s25+$0x80] =	vst v6;
	v6 =	vmul.f32 $1.131370830e+01, v8  }
0x151: {  	[tilespmem:s25+$0x90] =	vst v5;
	v0 =	vmul.f32 $1.131370830e+01, v0  }
0x152: {  	s24 =	sadd.s32 $0x1, s24;
	[tilespmem:s25+$0xA0] =	vst v6;
	v1 =	vmul.f32 $1.131370830e+01, v1  }
0x153: {  	p0 =	sne.s32 s24, $0x32;
	[tilespmem:s25+$0xB0] =	vst v0;
	v61 =	vmul.f32 $1.131370830e+01, v2  }
.Ltmp4:
0x154: {  	s26 =	sshll.u32 s26, $0xE;
	[tilespmem:s25+$0xC0] =	vst v1;
	v62 =	vmul.f32 $1.131370830e+01, v3;
	(pc) =	sbr.rel @p0 .LBB2_2-.Ltmp4, $4  }
0x155: {  	s26 =	sadd.s32 s6, s26;
	v63 =	vmul.f32 $1.131370830e+01, v4;
	[tilespmem:s25+$0xD0] =	vst v61  }
0x156: {  	s26 =	sshrl.u32 s26, $0x3;
	[tilespmem:s25+$0xE0] =	vst v62  }
0x157: {  	s31 =	sadd.s32 s3, s26;
	[tilespmem:s25+$0xFFFFFF00] =	vst v63  }
0x158: {  	[hbm4b:s31+s4] =	stream.linear.scatter [tilespmem:s15], [sflag:$0x8], $0x4000, $0x38;
	[tilespmem:$0x16400] =	vst v63  }
0x159: {  	s23 =	sadd.s32 $0x1, s23  }
0x15a: {  	_ =	swait.ge [sflag:s21], $0x4000;
	p0 =	sne.s32 s23, s7  }
.Ltmp5:
0x15b: {  	[sflag:s21] =	ssyncset.done $0x0;
	(pc) =	sbr.rel @p0 .LBB2_1-.Ltmp5, $4  }
0x15c: {  	[sflag:s21] =	ssyncadd.s32 $0xFFFFC000  }
0x15d: {  	_ =	swait.ge [sflag:s22], $0x4000  }
0x15e: {  	[sflag:s22] =	ssyncset.done $0x0  }
0x15f: {  	[sflag:s22] =	ssyncadd.s32 $0xFFFFC000  }
0x160: {  	_ =	sfence.sel $0x180000  }
0x161: {  	[bflag:$0x0] =	sbarrier.arrive $0xFFFF  }
0x162: {  	p0 =	sne.s32 s0, $0x0;
	_ =	strace $0x90000047  }
0x163: {  	s0 =	sadd.s32 @!p0 $0x100000, s1;
	[bflag:$0x2] =	sbarrier.arrive $0xFFFF  }
0x164: {  	[sflag:s0] =	ssyncadd.tile.s32 @!p0 $0x1;
	_ =	shalt  }
.Lfunc_end2:
_tile_overlayer_lowered:
.L_overlay_start_2:
0x165: {  	(tag) =	ssettag $0x2  }
0x166: {  	s0 =	rddreg [dreg:$0x0];
	s2 =	stileid.u32  }
0x167: {  	s1 =	rddreg [dreg:$0x1];
	p0 =	sne.s32 s2, $0x0  }
0x168: {  	s3 =	rddreg [dreg:$0x2];
	[bflag:$0x3] =	sbarrier.arrive $0xFFFF;
	s2 =	simm.s32 @!p0 $0x1C09  }
0x169: {  	[timem:s3], [sflag:s2] =	dma.local @!p0 [hbm:s0], s1  }
0x16a: {  	s0 =	simm.s32 @!p0 $0x9  }
0x16b: {  	_ =	swait.ge @!p0 [sflag:s0], s1  }
0x16c: {  	s1 =	ssub.s32 @!p0 $0x0, s1;
	[sflag:s0] =	ssyncset.done @!p0 $0x0  }
0x16d: {  	[sflag:s0] =	ssyncadd.s32 @!p0 s1  }
0x16e: {  	[bflag:$0x3] =	sbarrier.arrive $0xFFFF  }
0x16f: {  	_ =	shalt  }

</sc_bundles>
